<compile_context>
chip_gen: v7x
topology: tpu7x:2x2x1
jax: 0.10.2.dev20260603
libtpu: 0.0.44.dev20260713+nightly
codegen_flags: <defaults>
</compile_context>

<pallas_src>
import functools

import jax
import jax.numpy as jnp
from jax import lax
from jax.experimental import pallas as pl
from jax.experimental.pallas import tpu as pltpu
from jax.experimental.pallas import tpu_sc as plsc

N = 10000
NP = 10240
D = 256
DH = 128
DO = 64
NC = 2
NS = 16
CHUNK = 128
NCH = 42
NCHA = NC * NCH
NIB = 2
NCB = NCHA // NIB
EP = NC * NS * NCH * CHUNK
ROWS_PER_TILE = NP // NS
BLK = 256


def _sc_mesh():
    return plsc.VectorSubcoreMesh(core_axis_name="c", subcore_axis_name="s",
                                  num_cores=NC, num_subcores=NS)


def _sc_deg_body(dst_hbm, ones_hbm, zeros_hbm, out_hbm,
                 dst_idx, ones_v, deg, sem):
    c = lax.axis_index("c")
    s = lax.axis_index("s")
    base = s * ROWS_PER_TILE
    pltpu.sync_copy(zeros_hbm, deg.at[pl.ds(base, ROWS_PER_TILE)])
    pltpu.async_copy(ones_hbm, ones_v, sem).wait()
    pltpu.async_copy(dst_hbm.at[c, s], dst_idx, sem).wait()
    plsc.subcore_barrier()
    @pl.loop(0, NCH)
    def _(j):
        pltpu.sync_copy(ones_v, deg.at[dst_idx.at[j]], add=True)

    plsc.subcore_barrier()
    pltpu.sync_copy(deg.at[pl.ds(base, ROWS_PER_TILE)],
                    out_hbm.at[c, pl.ds(base, ROWS_PER_TILE)])


def _sc_deg_call(dst_deg, ones128, zerosD):
    body = functools.partial(
        pl.kernel,
        out_type=jax.ShapeDtypeStruct((NC, NP, DH), jnp.float32),
        mesh=_sc_mesh(),
        scratch_types=[
            pltpu.VMEM((NCH, CHUNK), jnp.int32),
            pltpu.VMEM((CHUNK, DH), jnp.float32),
            pltpu.VMEM_SHARED((NP, DH), jnp.float32),
            pltpu.SemaphoreType.DMA,
        ],
    )(_sc_deg_body)
    return body(dst_deg, ones128, zerosD)


def _sc_agg_body(xw_hbm, srcp_hbm, dst_hbm, zeros_hbm, out_hbm,
                 src_idx, dst_idx, rows0, rows1, agg, sem0, sem1):
    c = lax.axis_index("c")
    s = lax.axis_index("s")
    base = s * ROWS_PER_TILE
    pltpu.sync_copy(zeros_hbm, agg.at[pl.ds(base, ROWS_PER_TILE)])
    plsc.subcore_barrier()

    @pl.loop(0, NIB)
    def _(ib):
        pltpu.async_copy(srcp_hbm.at[c, s, ib], src_idx, sem0).wait()
        pltpu.async_copy(dst_hbm.at[s, ib], dst_idx, sem0).wait()
        pltpu.async_copy(xw_hbm.at[src_idx.at[0]], rows0, sem0)

        @pl.loop(0, NCB, step=2)
        def _(jj):
            pltpu.make_async_copy(xw_hbm.at[src_idx.at[jj]], rows0, sem0).wait()
            pltpu.async_copy(xw_hbm.at[src_idx.at[jj + 1]], rows1, sem1)
            pltpu.sync_copy(rows0, agg.at[dst_idx.at[jj]], add=True)
            j2 = jnp.minimum(jj + 2, NCB - 1)
            pltpu.make_async_copy(xw_hbm.at[src_idx.at[jj + 1]], rows1, sem1).wait()
            pltpu.async_copy(xw_hbm.at[src_idx.at[j2]], rows0, sem0)
            pltpu.sync_copy(rows1, agg.at[dst_idx.at[jj + 1]], add=True)

        pltpu.make_async_copy(xw_hbm.at[src_idx.at[NCB - 1]], rows0, sem0).wait()

    plsc.subcore_barrier()
    pltpu.sync_copy(agg.at[pl.ds(base, ROWS_PER_TILE)],
                    out_hbm.at[c, pl.ds(base, ROWS_PER_TILE)])


def _sc_agg_call(xw2, srcp, dst_t, zerosD):
    body = functools.partial(
        pl.kernel,
        out_type=jax.ShapeDtypeStruct((NC, NP, DH), jnp.float32),
        mesh=_sc_mesh(),
        scratch_types=[
            pltpu.VMEM((NCB, CHUNK), jnp.int32),
            pltpu.VMEM((NCB, CHUNK), jnp.int32),
            pltpu.VMEM((CHUNK, DH), jnp.float32),
            pltpu.VMEM((CHUNK, DH), jnp.float32),
            pltpu.VMEM_SHARED((NP, DH), jnp.float32),
            pltpu.SemaphoreType.DMA,
            pltpu.SemaphoreType.DMA,
        ],
    )(_sc_agg_body)
    return body(xw2, srcp, dst_t, zerosD)


def _dis(deg_ref):
    deg_blk = deg_ref[0] + deg_ref[1]
    return jnp.where(deg_blk > 0.0, lax.rsqrt(deg_blk), 0.0)


def _tc_layer1_body(x_ref, w_ref, deg_ref, out_ref):
    dis = _dis(deg_ref)
    xw = jnp.dot(x_ref[...], w_ref[...], preferred_element_type=jnp.float32)
    out_ref[0] = xw[:, :DH] * dis
    out_ref[1] = xw[:, DH:] * dis


def _tc_layer1(xp, w1, deg_bc):
    return pl.pallas_call(
        _tc_layer1_body,
        grid=(NP // BLK,),
        in_specs=[
            pl.BlockSpec((BLK, D), lambda i: (i, 0)),
            pl.BlockSpec((D, D), lambda i: (0, 0)),
            pl.BlockSpec((NC, BLK, DH), lambda i: (0, i, 0)),
        ],
        out_specs=pl.BlockSpec((NC, BLK, DH), lambda i: (0, i, 0)),
        out_shape=jax.ShapeDtypeStruct((NC, NP, DH), jnp.float32),
    )(xp, w1, deg_bc)


def _tc_layer_body(acc_ref, deg_ref, b_ref, w_ref, out_ref):
    dis = _dis(deg_ref)
    b = b_ref[...]
    h0 = jnp.maximum(acc_ref[0] * dis + b[:, :DH], 0.0)
    h1 = jnp.maximum(acc_ref[1] * dis + b[:, DH:], 0.0)
    w = w_ref[...]
    xw = (jnp.dot(h0, w[:DH, :], preferred_element_type=jnp.float32)
          + jnp.dot(h1, w[DH:, :], preferred_element_type=jnp.float32))
    out_ref[0] = xw[:, :DH] * dis
    out_ref[1] = xw[:, DH:] * dis


def _tc_layer(acc, deg_bc, b, w):
    return pl.pallas_call(
        _tc_layer_body,
        grid=(NP // BLK,),
        in_specs=[
            pl.BlockSpec((NC, BLK, DH), lambda i: (0, i, 0)),
            pl.BlockSpec((NC, BLK, DH), lambda i: (0, i, 0)),
            pl.BlockSpec((1, D), lambda i: (0, 0)),
            pl.BlockSpec((D, D), lambda i: (0, 0)),
        ],
        out_specs=pl.BlockSpec((NC, BLK, DH), lambda i: (0, i, 0)),
        out_shape=jax.ShapeDtypeStruct((NC, NP, DH), jnp.float32),
    )(acc, deg_bc, b.reshape(1, D), w)


def _tc_final_body(acc_ref, deg_ref, b_ref, wo_ref, bo_ref, out_ref):
    dis = _dis(deg_ref)
    b = b_ref[...]
    h0 = jnp.maximum(acc_ref[0] * dis + b[:, :DH], 0.0)
    h1 = jnp.maximum(acc_ref[1] * dis + b[:, DH:], 0.0)
    wo = wo_ref[...]
    z = (jnp.dot(h0, wo[:DH, :], preferred_element_type=jnp.float32)
         + jnp.dot(h1, wo[DH:, :], preferred_element_type=jnp.float32)
         + bo_ref[...])
    m = jnp.max(z, axis=1, keepdims=True)
    e = jnp.exp(z - m)
    out_ref[...] = e / jnp.sum(e, axis=1, keepdims=True)


def _tc_final(acc, deg_bc, b3, wo_p, bo_p):
    return pl.pallas_call(
        _tc_final_body,
        grid=(NP // BLK,),
        in_specs=[
            pl.BlockSpec((NC, BLK, DH), lambda i: (0, i, 0)),
            pl.BlockSpec((NC, BLK, DH), lambda i: (0, i, 0)),
            pl.BlockSpec((1, D), lambda i: (0, 0)),
            pl.BlockSpec((D, DH), lambda i: (0, 0)),
            pl.BlockSpec((1, DH), lambda i: (0, 0)),
        ],
        out_specs=pl.BlockSpec((BLK, DH), lambda i: (i, 0)),
        out_shape=jax.ShapeDtypeStruct((NP, DH), jnp.float32),
    )(acc, deg_bc, b3.reshape(1, D), wo_p, bo_p)


def kernel(X, edges_index, W1, b1, W2, b2, W3, b3, Wo, bo):
    ei = edges_index.astype(jnp.int32)
    loop = jnp.arange(N, dtype=jnp.int32)
    src = jnp.concatenate([ei[0], loop])
    dst = jnp.concatenate([ei[1], loop])
    npad = EP - src.shape[0]
    src = jnp.concatenate([src, jnp.zeros((npad,), jnp.int32)])
    dst = jnp.concatenate([dst, jnp.full((npad,), N, jnp.int32)])
    dst_t = dst.reshape(NS, NIB, NCB, CHUNK)
    srcp = jnp.stack([src, src + NP]).reshape(NC, NS, NIB, NCB, CHUNK)
    dst_deg = dst.reshape(NC, NS, NCH, CHUNK)

    ones128 = jnp.ones((CHUNK, DH), jnp.float32)
    zerosD = jnp.zeros((ROWS_PER_TILE, DH), jnp.float32)

    deg_bc = _sc_deg_call(dst_deg, ones128, zerosD)

    xp = jnp.pad(X, ((0, NP - N), (0, 0)))
    wo_p = jnp.pad(Wo, ((0, 0), (0, DH - DO)))
    bo_p = jnp.pad(bo, (0, DH - DO), constant_values=-1e30).reshape(1, DH)

    xw = _tc_layer1(xp, W1, deg_bc)
    acc = _sc_agg_call(xw.reshape(NC * NP, DH), srcp, dst_t, zerosD)
    xw = _tc_layer(acc, deg_bc, b1, W2)
    acc = _sc_agg_call(xw.reshape(NC * NP, DH), srcp, dst_t, zerosD)
    xw = _tc_layer(acc, deg_bc, b2, W3)
    acc = _sc_agg_call(xw.reshape(NC * NP, DH), srcp, dst_t, zerosD)
    out = _tc_final(acc, deg_bc, b3, wo_p, bo_p)
    return out[:N, :DO]

# --- scband reference (transcript-rebuilt; emitter-appended) ---
"""Pipeline reference for scband-gnn-37761352467111 (READ-ONLY COPY).

The authoritative reference and input builder live on the scoring server;
editing this copy changes nothing except your own understanding.
"""

import jax, jax.numpy as jnp
import numpy as np

N = 10000
E = 160000
D_IN = 256
D_H = 256
D_OUT = 64


def setup_inputs(seed: int = 0) -> dict:
    key = jax.random.key(seed)
    ks = jax.random.split(key, 10)
    X = jax.random.normal(ks[0], (N, D_IN), dtype=jnp.float32)
    edges_index = jax.random.randint(ks[1], (2, E), 0, N, dtype=jnp.int64)
    def glorot(k, shape):
        fan_in, fan_out = shape
        lim = jnp.sqrt(6.0 / (fan_in + fan_out))
        return jax.random.uniform(k, shape, dtype=jnp.float32, minval=-lim, maxval=lim)
    W1 = glorot(ks[2], (D_IN, D_H)); b1 = jnp.zeros((D_H,), dtype=jnp.float32)
    W2 = glorot(ks[3], (D_H, D_H)); b2 = jnp.zeros((D_H,), dtype=jnp.float32)
    W3 = glorot(ks[4], (D_H, D_H)); b3 = jnp.zeros((D_H,), dtype=jnp.float32)
    Wo = glorot(ks[5], (D_H, D_OUT)); bo = jnp.zeros((D_OUT,), dtype=jnp.float32)
    return {"X": X, "edges_index": edges_index,
            "W1": W1, "b1": b1, "W2": W2, "b2": b2,
            "W3": W3, "b3": b3, "Wo": Wo, "bo": bo}


def _gcn_conv(x, src, dst, norm, W, b):
    # GCNConv: x' = D^{-1/2} (A + I) D^{-1/2} (x W) + b
    xw = x @ W
    msg = xw[src] * norm[:, None]
    agg = jax.ops.segment_sum(msg, dst, num_segments=x.shape[0])
    return agg + b


def reference(X, edges_index, W1, b1, W2, b2, W3, b3, Wo, bo):
    n = X.shape[0]
    loop = jnp.arange(n, dtype=edges_index.dtype)
    src = jnp.concatenate([edges_index[0], loop])
    dst = jnp.concatenate([edges_index[1], loop])
    deg = jnp.zeros((n,), dtype=jnp.float32).at[dst].add(1.0)
    dis = jnp.where(deg > 0, 1.0 / jnp.sqrt(deg), 0.0)
    norm = dis[src] * dis[dst]
    out = X
    out = jax.nn.relu(_gcn_conv(out, src, dst, norm, W1, b1))
    # dropout is identity in eval mode
    out = jax.nn.relu(_gcn_conv(out, src, dst, norm, W2, b2))
    out = jax.nn.relu(_gcn_conv(out, src, dst, norm, W3, b3))
    out = out @ Wo + bo
    out = jax.nn.softmax(out, axis=1)
    return out

if __name__ == "__main__":
    import jax
    _d = setup_inputs()
    print(jax.jit(kernel)(*tuple(_d.values())))

</pallas_src>

<mosaic_0001>
#map = affine_map<(d0, d1) -> (0, 0, 0, 0)>
#map1 = affine_map<(d0, d1) -> (0, 0)>
#map2 = affine_map<(d0, d1) -> (0, 0, 0)>
module attributes {stable_mosaic.version = 14 : i64} {
  func.func @_sc_deg_body(%arg0: i32, %arg1: i32, %arg2: memref<2x16x42x128xi32, #tpu.memory_space<hbm>>, %arg3: memref<128x128xf32, #tpu.memory_space<hbm>>, %arg4: memref<640x128xf32, #tpu.memory_space<hbm>>, %arg5: memref<2x10240x128xf32, #tpu.memory_space<hbm>>, %arg6: memref<42x128xi32, #tpu.memory_space<vmem>>, %arg7: memref<128x128xf32, #tpu.memory_space<vmem>>, %arg8: memref<10240x128xf32, #tpu.memory_space<vmem_shared>>, %arg9: memref<!tpu.dma_semaphore, #tpu.memory_space<semaphore_mem>>) attributes {dimension_semantics = [#tpu.dimension_semantics<core_parallel>, #tpu.dimension_semantics<subcore_parallel>], iteration_bounds = array<i64: 2, 16>, scalar_prefetch = 0 : i64, scratch_operands = 4 : i64, tpu.core_type = #tpu.core_type<sc_vector_subcore>, window_params = [{transform_indices = #map}, {transform_indices = #map1}, {transform_indices = #map1}, {transform_indices = #map2}]} {
    %mul3A = arith.constant 640 : i32
    %mul3A_0 = arith.muli %arg1, %mul3A : i32
    "tpu.region"() ({
      %run_scoped3A = tpu.sem_alloc : memref<!tpu.dma_semaphore, #tpu.memory_space<semaphore_mem>>
      %dma_start3A_20 = arith.constant 0 : i32
      %dma_start3A_21 = tpu.memref_slice %arg8[%mul3A_0, %dma_start3A_20] : memref<10240x128xf32, #tpu.memory_space<vmem_shared>> -> memref<640x128xf32, #tpu.memory_space<vmem_shared>>
      tpu.enqueue_dma source(%arg4 : memref<640x128xf32, #tpu.memory_space<hbm>>) target(%dma_start3A_21 : memref<640x128xf32, #tpu.memory_space<vmem_shared>>) target_semaphore(%run_scoped3A : memref<!tpu.dma_semaphore, #tpu.memory_space<semaphore_mem>>)
      %dma_wait3A_22 = arith.constant 0 : i32
      %dma_wait3A_23 = tpu.memref_slice %arg8[%mul3A_0, %dma_wait3A_22] : memref<10240x128xf32, #tpu.memory_space<vmem_shared>> -> memref<640x128xf32, #tpu.memory_space<vmem_shared>>
      tpu.wait_dma2 semaphore(%run_scoped3A : memref<!tpu.dma_semaphore, #tpu.memory_space<semaphore_mem>>) src(%arg4 : memref<640x128xf32, #tpu.memory_space<hbm>>) dst(%dma_wait3A_23 : memref<640x128xf32, #tpu.memory_space<vmem_shared>>)
      tpu.yield
    }) : () -> ()
    tpu.enqueue_dma source(%arg3 : memref<128x128xf32, #tpu.memory_space<hbm>>) target(%arg7 : memref<128x128xf32, #tpu.memory_space<vmem>>) target_semaphore(%arg9 : memref<!tpu.dma_semaphore, #tpu.memory_space<semaphore_mem>>)
    tpu.wait_dma2 semaphore(%arg9 : memref<!tpu.dma_semaphore, #tpu.memory_space<semaphore_mem>>) src(%arg3 : memref<128x128xf32, #tpu.memory_space<hbm>>) dst(%arg7 : memref<128x128xf32, #tpu.memory_space<vmem>>)
    %dma_start3A = arith.constant 0 : i32
    %dma_start3A_1 = arith.constant 0 : i32
    %dma_start3A_2 = tpu.memref_slice %arg2[%arg0, %arg1, %dma_start3A, %dma_start3A_1] : memref<2x16x42x128xi32, #tpu.memory_space<hbm>> -> memref<1x1x42x128xi32, #tpu.memory_space<hbm>>
    %dma_start3A_3 = tpu.memref_squeeze %dma_start3A_2 : memref<1x1x42x128xi32, #tpu.memory_space<hbm>> -> memref<42x128xi32, #tpu.memory_space<hbm>>
    %dma_start3A_4 = arith.constant 0 : i32
    %dma_start3A_5 = arith.constant 0 : i32
    %dma_start3A_6 = tpu.memref_slice %arg2[%arg0, %arg1, %dma_start3A_4, %dma_start3A_5] : memref<2x16x42x128xi32, #tpu.memory_space<hbm>> -> memref<1x1x42x128xi32, #tpu.memory_space<hbm>>
    %dma_start3A_7 = tpu.memref_squeeze %dma_start3A_6 : memref<1x1x42x128xi32, #tpu.memory_space<hbm>> -> memref<42x128xi32, #tpu.memory_space<hbm>>
    tpu.enqueue_dma source(%dma_start3A_7 : memref<42x128xi32, #tpu.memory_space<hbm>>) target(%arg6 : memref<42x128xi32, #tpu.memory_space<vmem>>) target_semaphore(%arg9 : memref<!tpu.dma_semaphore, #tpu.memory_space<semaphore_mem>>)
    %dma_wait3A = arith.constant 0 : i32
    %dma_wait3A_8 = arith.constant 0 : i32
    %dma_wait3A_9 = tpu.memref_slice %arg2[%arg0, %arg1, %dma_wait3A, %dma_wait3A_8] : memref<2x16x42x128xi32, #tpu.memory_space<hbm>> -> memref<1x1x42x128xi32, #tpu.memory_space<hbm>>
    %dma_wait3A_10 = tpu.memref_squeeze %dma_wait3A_9 : memref<1x1x42x128xi32, #tpu.memory_space<hbm>> -> memref<42x128xi32, #tpu.memory_space<hbm>>
    %dma_wait3A_11 = arith.constant 0 : i32
    %dma_wait3A_12 = arith.constant 0 : i32
    %dma_wait3A_13 = tpu.memref_slice %arg2[%arg0, %arg1, %dma_wait3A_11, %dma_wait3A_12] : memref<2x16x42x128xi32, #tpu.memory_space<hbm>> -> memref<1x1x42x128xi32, #tpu.memory_space<hbm>>
    %dma_wait3A_14 = tpu.memref_squeeze %dma_wait3A_13 : memref<1x1x42x128xi32, #tpu.memory_space<hbm>> -> memref<42x128xi32, #tpu.memory_space<hbm>>
    tpu.wait_dma2 semaphore(%arg9 : memref<!tpu.dma_semaphore, #tpu.memory_space<semaphore_mem>>) src(%dma_wait3A_14 : memref<42x128xi32, #tpu.memory_space<hbm>>) dst(%arg6 : memref<42x128xi32, #tpu.memory_space<vmem>>)
    %barrier3A = arith.constant 0 : index
    tpu.barrier barrier_id(%barrier3A)
    %scan3A = arith.constant 0 : i32
    %scan3A_15 = arith.constant 42 : i32
    %scan3A_16 = arith.addi %scan3A, %scan3A_15 : i32
    %scan3A_17 = arith.constant 1 : i32
    scf.for %scan3A_20 = %scan3A to %scan3A_16 step %scan3A_17  : i32 {
      %mul3A_21 = arith.constant 1 : i32
      %mul3A_22 = arith.muli %scan3A_20, %mul3A_21 : i32
      %add3A = arith.constant 0 : i32
      %add3A_23 = arith.addi %add3A, %mul3A_22 : i32
      "tpu.region"() ({
        %run_scoped3A = tpu.sem_alloc : memref<!tpu.dma_semaphore, #tpu.memory_space<semaphore_mem>>
        %dma_start3A_24 = arith.constant 0 : i32
        %dma_start3A_25 = tpu.memref_slice %arg6[%add3A_23, %dma_start3A_24] : memref<42x128xi32, #tpu.memory_space<vmem>> -> memref<1x128xi32, #tpu.memory_space<vmem>>
        %dma_start3A_26 = tpu.memref_squeeze %dma_start3A_25 : memref<1x128xi32, #tpu.memory_space<vmem>> -> memref<128xi32, #tpu.memory_space<vmem>>
        %dma_start3A_27 = arith.constant 0 : i32
        %dma_start3A_28 = arith.constant 0 : i32
        %dma_start3A_29 = tpu.memref_slice %arg8[%dma_start3A_27, %dma_start3A_28] : memref<10240x128xf32, #tpu.memory_space<vmem_shared>> -> memref<10240x128xf32, #tpu.memory_space<vmem_shared>>
        tpu.enqueue_indirect_dma source(%arg7 : memref<128x128xf32, #tpu.memory_space<vmem>>) target(%dma_start3A_29 : memref<10240x128xf32, #tpu.memory_space<vmem_shared>>) offsets(%dma_start3A_26 : memref<128xi32, #tpu.memory_space<vmem>>) semaphore(%run_scoped3A : memref<!tpu.dma_semaphore, #tpu.memory_space<semaphore_mem>>) {add = true}
        %dma_wait3A_30 = arith.constant 0 : i32
        %dma_wait3A_31 = tpu.memref_slice %arg6[%add3A_23, %dma_wait3A_30] : memref<42x128xi32, #tpu.memory_space<vmem>> -> memref<1x128xi32, #tpu.memory_space<vmem>>
        %dma_wait3A_32 = tpu.memref_squeeze %dma_wait3A_31 : memref<1x128xi32, #tpu.memory_space<vmem>> -> memref<128xi32, #tpu.memory_space<vmem>>
        %dma_wait3A_33 = arith.constant 0 : i32
        %dma_wait3A_34 = arith.constant 0 : i32
        %dma_wait3A_35 = tpu.memref_slice %arg8[%dma_wait3A_33, %dma_wait3A_34] : memref<10240x128xf32, #tpu.memory_space<vmem_shared>> -> memref<10240x128xf32, #tpu.memory_space<vmem_shared>>
        tpu.wait_indirect_dma semaphore(%run_scoped3A : memref<!tpu.dma_semaphore, #tpu.memory_space<semaphore_mem>>) src(%arg7 : memref<128x128xf32, #tpu.memory_space<vmem>>) dst(%dma_wait3A_35 : memref<10240x128xf32, #tpu.memory_space<vmem_shared>>)
        tpu.yield
      }) : () -> ()
    }
    %scan3A_18 = arith.constant 42 : i32
    %barrier3A_19 = arith.constant 0 : index
    tpu.barrier barrier_id(%barrier3A_19)
    "tpu.region"() ({
      %run_scoped3A = tpu.sem_alloc : memref<!tpu.dma_semaphore, #tpu.memory_space<semaphore_mem>>
      %dma_start3A_20 = arith.constant 0 : i32
      %dma_start3A_21 = tpu.memref_slice %arg5[%arg0, %mul3A_0, %dma_start3A_20] : memref<2x10240x128xf32, #tpu.memory_space<hbm>> -> memref<1x640x128xf32, #tpu.memory_space<hbm>>
      %dma_start3A_22 = tpu.memref_squeeze %dma_start3A_21 : memref<1x640x128xf32, #tpu.memory_space<hbm>> -> memref<640x128xf32, #tpu.memory_space<hbm>>
      %dma_start3A_23 = arith.constant 0 : i32
      %dma_start3A_24 = tpu.memref_slice %arg8[%mul3A_0, %dma_start3A_23] : memref<10240x128xf32, #tpu.memory_space<vmem_shared>> -> memref<640x128xf32, #tpu.memory_space<vmem_shared>>
      tpu.enqueue_dma source(%dma_start3A_24 : memref<640x128xf32, #tpu.memory_space<vmem_shared>>) target(%dma_start3A_22 : memref<640x128xf32, #tpu.memory_space<hbm>>) target_semaphore(%run_scoped3A : memref<!tpu.dma_semaphore, #tpu.memory_space<semaphore_mem>>)
      %dma_wait3A_25 = arith.constant 0 : i32
      %dma_wait3A_26 = tpu.memref_slice %arg5[%arg0, %mul3A_0, %dma_wait3A_25] : memref<2x10240x128xf32, #tpu.memory_space<hbm>> -> memref<1x640x128xf32, #tpu.memory_space<hbm>>
      %dma_wait3A_27 = tpu.memref_squeeze %dma_wait3A_26 : memref<1x640x128xf32, #tpu.memory_space<hbm>> -> memref<640x128xf32, #tpu.memory_space<hbm>>
      %dma_wait3A_28 = arith.constant 0 : i32
      %dma_wait3A_29 = tpu.memref_slice %arg8[%mul3A_0, %dma_wait3A_28] : memref<10240x128xf32, #tpu.memory_space<vmem_shared>> -> memref<640x128xf32, #tpu.memory_space<vmem_shared>>
      tpu.wait_dma2 semaphore(%run_scoped3A : memref<!tpu.dma_semaphore, #tpu.memory_space<semaphore_mem>>) src(%dma_wait3A_29 : memref<640x128xf32, #tpu.memory_space<vmem_shared>>) dst(%dma_wait3A_27 : memref<640x128xf32, #tpu.memory_space<hbm>>)
      tpu.yield
    }) : () -> ()
    return
  }
}

#map = affine_map<(d0, d1) -> (0, 0)>
#map1 = affine_map<(d0, d1) -> (0, 0, 0, 0, 0)>
#map2 = affine_map<(d0, d1) -> (0, 0, 0, 0)>
#map3 = affine_map<(d0, d1) -> (0, 0, 0)>
module attributes {stable_mosaic.version = 14 : i64} {
  func.func @_sc_agg_body(%arg0: i32, %arg1: i32, %arg2: memref<20480x128xf32, #tpu.memory_space<hbm>>, %arg3: memref<2x16x2x42x128xi32, #tpu.memory_space<hbm>>, %arg4: memref<16x2x42x128xi32, #tpu.memory_space<hbm>>, %arg5: memref<640x128xf32, #tpu.memory_space<hbm>>, %arg6: memref<2x10240x128xf32, #tpu.memory_space<hbm>>, %arg7: memref<42x128xi32, #tpu.memory_space<vmem>>, %arg8: memref<42x128xi32, #tpu.memory_space<vmem>>, %arg9: memref<128x128xf32, #tpu.memory_space<vmem>>, %arg10: memref<128x128xf32, #tpu.memory_space<vmem>>, %arg11: memref<10240x128xf32, #tpu.memory_space<vmem_shared>>, %arg12: memref<!tpu.dma_semaphore, #tpu.memory_space<semaphore_mem>>, %arg13: memref<!tpu.dma_semaphore, #tpu.memory_space<semaphore_mem>>) attributes {dimension_semantics = [#tpu.dimension_semantics<core_parallel>, #tpu.dimension_semantics<subcore_parallel>], iteration_bounds = array<i64: 2, 16>, scalar_prefetch = 0 : i64, scratch_operands = 7 : i64, tpu.core_type = #tpu.core_type<sc_vector_subcore>, window_params = [{transform_indices = #map}, {transform_indices = #map1}, {transform_indices = #map2}, {transform_indices = #map}, {transform_indices = #map3}]} {
    %mul3A = arith.constant 640 : i32
    %mul3A_0 = arith.muli %arg1, %mul3A : i32
    "tpu.region"() ({
      %run_scoped3A = tpu.sem_alloc : memref<!tpu.dma_semaphore, #tpu.memory_space<semaphore_mem>>
      %dma_start3A = arith.constant 0 : i32
      %dma_start3A_6 = tpu.memref_slice %arg11[%mul3A_0, %dma_start3A] : memref<10240x128xf32, #tpu.memory_space<vmem_shared>> -> memref<640x128xf32, #tpu.memory_space<vmem_shared>>
      tpu.enqueue_dma source(%arg5 : memref<640x128xf32, #tpu.memory_space<hbm>>) target(%dma_start3A_6 : memref<640x128xf32, #tpu.memory_space<vmem_shared>>) target_semaphore(%run_scoped3A : memref<!tpu.dma_semaphore, #tpu.memory_space<semaphore_mem>>)
      %dma_wait3A = arith.constant 0 : i32
      %dma_wait3A_7 = tpu.memref_slice %arg11[%mul3A_0, %dma_wait3A] : memref<10240x128xf32, #tpu.memory_space<vmem_shared>> -> memref<640x128xf32, #tpu.memory_space<vmem_shared>>
      tpu.wait_dma2 semaphore(%run_scoped3A : memref<!tpu.dma_semaphore, #tpu.memory_space<semaphore_mem>>) src(%arg5 : memref<640x128xf32, #tpu.memory_space<hbm>>) dst(%dma_wait3A_7 : memref<640x128xf32, #tpu.memory_space<vmem_shared>>)
      tpu.yield
    }) : () -> ()
    %barrier3A = arith.constant 0 : index
    tpu.barrier barrier_id(%barrier3A)
    %scan3A = arith.constant 0 : i32
    %scan3A_1 = arith.constant 2 : i32
    %scan3A_2 = arith.addi %scan3A, %scan3A_1 : i32
    %scan3A_3 = arith.constant 1 : i32
    scf.for %scan3A_6 = %scan3A to %scan3A_2 step %scan3A_3  : i32 {
      %mul3A_7 = arith.constant 1 : i32
      %mul3A_8 = arith.muli %scan3A_6, %mul3A_7 : i32
      %add3A = arith.constant 0 : i32
      %add3A_9 = arith.addi %add3A, %mul3A_8 : i32
      %dma_start3A = arith.constant 0 : i32
      %dma_start3A_10 = arith.constant 0 : i32
      %dma_start3A_11 = tpu.memref_slice %arg3[%arg0, %arg1, %add3A_9, %dma_start3A, %dma_start3A_10] : memref<2x16x2x42x128xi32, #tpu.memory_space<hbm>> -> memref<1x1x1x42x128xi32, #tpu.memory_space<hbm>>
      %dma_start3A_12 = tpu.memref_squeeze %dma_start3A_11 : memref<1x1x1x42x128xi32, #tpu.memory_space<hbm>> -> memref<42x128xi32, #tpu.memory_space<hbm>>
      %dma_start3A_13 = arith.constant 0 : i32
      %dma_start3A_14 = arith.constant 0 : i32
      %dma_start3A_15 = tpu.memref_slice %arg3[%arg0, %arg1, %add3A_9, %dma_start3A_13, %dma_start3A_14] : memref<2x16x2x42x128xi32, #tpu.memory_space<hbm>> -> memref<1x1x1x42x128xi32, #tpu.memory_space<hbm>>
      %dma_start3A_16 = tpu.memref_squeeze %dma_start3A_15 : memref<1x1x1x42x128xi32, #tpu.memory_space<hbm>> -> memref<42x128xi32, #tpu.memory_space<hbm>>
      tpu.enqueue_dma source(%dma_start3A_16 : memref<42x128xi32, #tpu.memory_space<hbm>>) target(%arg7 : memref<42x128xi32, #tpu.memory_space<vmem>>) target_semaphore(%arg12 : memref<!tpu.dma_semaphore, #tpu.memory_space<semaphore_mem>>)
      %dma_wait3A = arith.constant 0 : i32
      %dma_wait3A_17 = arith.constant 0 : i32
      %dma_wait3A_18 = tpu.memref_slice %arg3[%arg0, %arg1, %add3A_9, %dma_wait3A, %dma_wait3A_17] : memref<2x16x2x42x128xi32, #tpu.memory_space<hbm>> -> memref<1x1x1x42x128xi32, #tpu.memory_space<hbm>>
      %dma_wait3A_19 = tpu.memref_squeeze %dma_wait3A_18 : memref<1x1x1x42x128xi32, #tpu.memory_space<hbm>> -> memref<42x128xi32, #tpu.memory_space<hbm>>
      %dma_wait3A_20 = arith.constant 0 : i32
      %dma_wait3A_21 = arith.constant 0 : i32
      %dma_wait3A_22 = tpu.memref_slice %arg3[%arg0, %arg1, %add3A_9, %dma_wait3A_20, %dma_wait3A_21] : memref<2x16x2x42x128xi32, #tpu.memory_space<hbm>> -> memref<1x1x1x42x128xi32, #tpu.memory_space<hbm>>
      %dma_wait3A_23 = tpu.memref_squeeze %dma_wait3A_22 : memref<1x1x1x42x128xi32, #tpu.memory_space<hbm>> -> memref<42x128xi32, #tpu.memory_space<hbm>>
      tpu.wait_dma2 semaphore(%arg12 : memref<!tpu.dma_semaphore, #tpu.memory_space<semaphore_mem>>) src(%dma_wait3A_23 : memref<42x128xi32, #tpu.memory_space<hbm>>) dst(%arg7 : memref<42x128xi32, #tpu.memory_space<vmem>>)
      %dma_start3A_24 = arith.constant 0 : i32
      %dma_start3A_25 = arith.constant 0 : i32
      %dma_start3A_26 = tpu.memref_slice %arg4[%arg1, %add3A_9, %dma_start3A_24, %dma_start3A_25] : memref<16x2x42x128xi32, #tpu.memory_space<hbm>> -> memref<1x1x42x128xi32, #tpu.memory_space<hbm>>
      %dma_start3A_27 = tpu.memref_squeeze %dma_start3A_26 : memref<1x1x42x128xi32, #tpu.memory_space<hbm>> -> memref<42x128xi32, #tpu.memory_space<hbm>>
      %dma_start3A_28 = arith.constant 0 : i32
      %dma_start3A_29 = arith.constant 0 : i32
      %dma_start3A_30 = tpu.memref_slice %arg4[%arg1, %add3A_9, %dma_start3A_28, %dma_start3A_29] : memref<16x2x42x128xi32, #tpu.memory_space<hbm>> -> memref<1x1x42x128xi32, #tpu.memory_space<hbm>>
      %dma_start3A_31 = tpu.memref_squeeze %dma_start3A_30 : memref<1x1x42x128xi32, #tpu.memory_space<hbm>> -> memref<42x128xi32, #tpu.memory_space<hbm>>
      tpu.enqueue_dma source(%dma_start3A_31 : memref<42x128xi32, #tpu.memory_space<hbm>>) target(%arg8 : memref<42x128xi32, #tpu.memory_space<vmem>>) target_semaphore(%arg12 : memref<!tpu.dma_semaphore, #tpu.memory_space<semaphore_mem>>)
      %dma_wait3A_32 = arith.constant 0 : i32
      %dma_wait3A_33 = arith.constant 0 : i32
      %dma_wait3A_34 = tpu.memref_slice %arg4[%arg1, %add3A_9, %dma_wait3A_32, %dma_wait3A_33] : memref<16x2x42x128xi32, #tpu.memory_space<hbm>> -> memref<1x1x42x128xi32, #tpu.memory_space<hbm>>
      %dma_wait3A_35 = tpu.memref_squeeze %dma_wait3A_34 : memref<1x1x42x128xi32, #tpu.memory_space<hbm>> -> memref<42x128xi32, #tpu.memory_space<hbm>>
      %dma_wait3A_36 = arith.constant 0 : i32
      %dma_wait3A_37 = arith.constant 0 : i32
      %dma_wait3A_38 = tpu.memref_slice %arg4[%arg1, %add3A_9, %dma_wait3A_36, %dma_wait3A_37] : memref<16x2x42x128xi32, #tpu.memory_space<hbm>> -> memref<1x1x42x128xi32, #tpu.memory_space<hbm>>
      %dma_wait3A_39 = tpu.memref_squeeze %dma_wait3A_38 : memref<1x1x42x128xi32, #tpu.memory_space<hbm>> -> memref<42x128xi32, #tpu.memory_space<hbm>>
      tpu.wait_dma2 semaphore(%arg12 : memref<!tpu.dma_semaphore, #tpu.memory_space<semaphore_mem>>) src(%dma_wait3A_39 : memref<42x128xi32, #tpu.memory_space<hbm>>) dst(%arg8 : memref<42x128xi32, #tpu.memory_space<vmem>>)
      %dma_start3A_40 = arith.constant 0 : i32
      %dma_start3A_41 = arith.constant 0 : i32
      %dma_start3A_42 = tpu.memref_slice %arg7[%dma_start3A_40, %dma_start3A_41] : memref<42x128xi32, #tpu.memory_space<vmem>> -> memref<1x128xi32, #tpu.memory_space<vmem>>
      %dma_start3A_43 = tpu.memref_squeeze %dma_start3A_42 : memref<1x128xi32, #tpu.memory_space<vmem>> -> memref<128xi32, #tpu.memory_space<vmem>>
      %dma_start3A_44 = arith.constant 0 : i32
      %dma_start3A_45 = arith.constant 0 : i32
      %dma_start3A_46 = tpu.memref_slice %arg2[%dma_start3A_44, %dma_start3A_45] : memref<20480x128xf32, #tpu.memory_space<hbm>> -> memref<20480x128xf32, #tpu.memory_space<hbm>>
      tpu.enqueue_indirect_dma source(%dma_start3A_46 : memref<20480x128xf32, #tpu.memory_space<hbm>>) target(%arg9 : memref<128x128xf32, #tpu.memory_space<vmem>>) offsets(%dma_start3A_43 : memref<128xi32, #tpu.memory_space<vmem>>) semaphore(%arg12 : memref<!tpu.dma_semaphore, #tpu.memory_space<semaphore_mem>>)
      %scan3A_47 = arith.constant 0 : i32
      %scan3A_48 = arith.constant 21 : i32
      %scan3A_49 = arith.addi %scan3A_47, %scan3A_48 : i32
      %scan3A_50 = arith.constant 1 : i32
      scf.for %scan3A_59 = %scan3A_47 to %scan3A_49 step %scan3A_50  : i32 {
        %mul3A_60 = arith.constant 2 : i32
        %mul3A_61 = arith.muli %scan3A_59, %mul3A_60 : i32
        %add3A_62 = arith.constant 0 : i32
        %add3A_63 = arith.addi %add3A_62, %mul3A_61 : i32
        %dma_wait3A_64 = arith.constant 0 : i32
        %dma_wait3A_65 = tpu.memref_slice %arg7[%add3A_63, %dma_wait3A_64] : memref<42x128xi32, #tpu.memory_space<vmem>> -> memref<1x128xi32, #tpu.memory_space<vmem>>
        %dma_wait3A_66 = tpu.memref_squeeze %dma_wait3A_65 : memref<1x128xi32, #tpu.memory_space<vmem>> -> memref<128xi32, #tpu.memory_space<vmem>>
        %dma_wait3A_67 = arith.constant 0 : i32
        %dma_wait3A_68 = arith.constant 0 : i32
        %dma_wait3A_69 = tpu.memref_slice %arg2[%dma_wait3A_67, %dma_wait3A_68] : memref<20480x128xf32, #tpu.memory_space<hbm>> -> memref<20480x128xf32, #tpu.memory_space<hbm>>
        tpu.wait_indirect_dma semaphore(%arg12 : memref<!tpu.dma_semaphore, #tpu.memory_space<semaphore_mem>>) src(%dma_wait3A_69 : memref<20480x128xf32, #tpu.memory_space<hbm>>) dst(%arg9 : memref<128x128xf32, #tpu.memory_space<vmem>>)
        %add3A_70 = arith.constant 1 : i32
        %add3A_71 = arith.addi %add3A_63, %add3A_70 : i32
        %dma_start3A_72 = arith.constant 0 : i32
        %dma_start3A_73 = tpu.memref_slice %arg7[%add3A_71, %dma_start3A_72] : memref<42x128xi32, #tpu.memory_space<vmem>> -> memref<1x128xi32, #tpu.memory_space<vmem>>
        %dma_start3A_74 = tpu.memref_squeeze %dma_start3A_73 : memref<1x128xi32, #tpu.memory_space<vmem>> -> memref<128xi32, #tpu.memory_space<vmem>>
        %dma_start3A_75 = arith.constant 0 : i32
        %dma_start3A_76 = arith.constant 0 : i32
        %dma_start3A_77 = tpu.memref_slice %arg2[%dma_start3A_75, %dma_start3A_76] : memref<20480x128xf32, #tpu.memory_space<hbm>> -> memref<20480x128xf32, #tpu.memory_space<hbm>>
        tpu.enqueue_indirect_dma source(%dma_start3A_77 : memref<20480x128xf32, #tpu.memory_space<hbm>>) target(%arg10 : memref<128x128xf32, #tpu.memory_space<vmem>>) offsets(%dma_start3A_74 : memref<128xi32, #tpu.memory_space<vmem>>) semaphore(%arg13 : memref<!tpu.dma_semaphore, #tpu.memory_space<semaphore_mem>>)
        "tpu.region"() ({
          %run_scoped3A = tpu.sem_alloc : memref<!tpu.dma_semaphore, #tpu.memory_space<semaphore_mem>>
          %dma_start3A_97 = arith.constant 0 : i32
          %dma_start3A_98 = tpu.memref_slice %arg8[%add3A_63, %dma_start3A_97] : memref<42x128xi32, #tpu.memory_space<vmem>> -> memref<1x128xi32, #tpu.memory_space<vmem>>
          %dma_start3A_99 = tpu.memref_squeeze %dma_start3A_98 : memref<1x128xi32, #tpu.memory_space<vmem>> -> memref<128xi32, #tpu.memory_space<vmem>>
          %dma_start3A_100 = arith.constant 0 : i32
          %dma_start3A_101 = arith.constant 0 : i32
          %dma_start3A_102 = tpu.memref_slice %arg11[%dma_start3A_100, %dma_start3A_101] : memref<10240x128xf32, #tpu.memory_space<vmem_shared>> -> memref<10240x128xf32, #tpu.memory_space<vmem_shared>>
          tpu.enqueue_indirect_dma source(%arg9 : memref<128x128xf32, #tpu.memory_space<vmem>>) target(%dma_start3A_102 : memref<10240x128xf32, #tpu.memory_space<vmem_shared>>) offsets(%dma_start3A_99 : memref<128xi32, #tpu.memory_space<vmem>>) semaphore(%run_scoped3A : memref<!tpu.dma_semaphore, #tpu.memory_space<semaphore_mem>>) {add = true}
          %dma_wait3A_103 = arith.constant 0 : i32
          %dma_wait3A_104 = tpu.memref_slice %arg8[%add3A_63, %dma_wait3A_103] : memref<42x128xi32, #tpu.memory_space<vmem>> -> memref<1x128xi32, #tpu.memory_space<vmem>>
          %dma_wait3A_105 = tpu.memref_squeeze %dma_wait3A_104 : memref<1x128xi32, #tpu.memory_space<vmem>> -> memref<128xi32, #tpu.memory_space<vmem>>
          %dma_wait3A_106 = arith.constant 0 : i32
          %dma_wait3A_107 = arith.constant 0 : i32
          %dma_wait3A_108 = tpu.memref_slice %arg11[%dma_wait3A_106, %dma_wait3A_107] : memref<10240x128xf32, #tpu.memory_space<vmem_shared>> -> memref<10240x128xf32, #tpu.memory_space<vmem_shared>>
          tpu.wait_indirect_dma semaphore(%run_scoped3A : memref<!tpu.dma_semaphore, #tpu.memory_space<semaphore_mem>>) src(%arg9 : memref<128x128xf32, #tpu.memory_space<vmem>>) dst(%dma_wait3A_108 : memref<10240x128xf32, #tpu.memory_space<vmem_shared>>)
          tpu.yield
        }) : () -> ()
        %add3A_78 = arith.constant 2 : i32
        %add3A_79 = arith.addi %add3A_63, %add3A_78 : i32
        %min3A = arith.constant 41 : i32
        %min3A_80 = arith.minsi %add3A_79, %min3A : i32
        %add3A_81 = arith.constant 1 : i32
        %add3A_82 = arith.addi %add3A_63, %add3A_81 : i32
        %dma_wait3A_83 = arith.constant 0 : i32
        %dma_wait3A_84 = tpu.memref_slice %arg7[%add3A_82, %dma_wait3A_83] : memref<42x128xi32, #tpu.memory_space<vmem>> -> memref<1x128xi32, #tpu.memory_space<vmem>>
        %dma_wait3A_85 = tpu.memref_squeeze %dma_wait3A_84 : memref<1x128xi32, #tpu.memory_space<vmem>> -> memref<128xi32, #tpu.memory_space<vmem>>
        %dma_wait3A_86 = arith.constant 0 : i32
        %dma_wait3A_87 = arith.constant 0 : i32
        %dma_wait3A_88 = tpu.memref_slice %arg2[%dma_wait3A_86, %dma_wait3A_87] : memref<20480x128xf32, #tpu.memory_space<hbm>> -> memref<20480x128xf32, #tpu.memory_space<hbm>>
        tpu.wait_indirect_dma semaphore(%arg13 : memref<!tpu.dma_semaphore, #tpu.memory_space<semaphore_mem>>) src(%dma_wait3A_88 : memref<20480x128xf32, #tpu.memory_space<hbm>>) dst(%arg10 : memref<128x128xf32, #tpu.memory_space<vmem>>)
        %dma_start3A_89 = arith.constant 0 : i32
        %dma_start3A_90 = tpu.memref_slice %arg7[%min3A_80, %dma_start3A_89] : memref<42x128xi32, #tpu.memory_space<vmem>> -> memref<1x128xi32, #tpu.memory_space<vmem>>
        %dma_start3A_91 = tpu.memref_squeeze %dma_start3A_90 : memref<1x128xi32, #tpu.memory_space<vmem>> -> memref<128xi32, #tpu.memory_space<vmem>>
        %dma_start3A_92 = arith.constant 0 : i32
        %dma_start3A_93 = arith.constant 0 : i32
        %dma_start3A_94 = tpu.memref_slice %arg2[%dma_start3A_92, %dma_start3A_93] : memref<20480x128xf32, #tpu.memory_space<hbm>> -> memref<20480x128xf32, #tpu.memory_space<hbm>>
        tpu.enqueue_indirect_dma source(%dma_start3A_94 : memref<20480x128xf32, #tpu.memory_space<hbm>>) target(%arg9 : memref<128x128xf32, #tpu.memory_space<vmem>>) offsets(%dma_start3A_91 : memref<128xi32, #tpu.memory_space<vmem>>) semaphore(%arg12 : memref<!tpu.dma_semaphore, #tpu.memory_space<semaphore_mem>>)
        %add3A_95 = arith.constant 1 : i32
        %add3A_96 = arith.addi %add3A_63, %add3A_95 : i32
        "tpu.region"() ({
          %run_scoped3A = tpu.sem_alloc : memref<!tpu.dma_semaphore, #tpu.memory_space<semaphore_mem>>
          %dma_start3A_97 = arith.constant 0 : i32
          %dma_start3A_98 = tpu.memref_slice %arg8[%add3A_96, %dma_start3A_97] : memref<42x128xi32, #tpu.memory_space<vmem>> -> memref<1x128xi32, #tpu.memory_space<vmem>>
          %dma_start3A_99 = tpu.memref_squeeze %dma_start3A_98 : memref<1x128xi32, #tpu.memory_space<vmem>> -> memref<128xi32, #tpu.memory_space<vmem>>
          %dma_start3A_100 = arith.constant 0 : i32
          %dma_start3A_101 = arith.constant 0 : i32
          %dma_start3A_102 = tpu.memref_slice %arg11[%dma_start3A_100, %dma_start3A_101] : memref<10240x128xf32, #tpu.memory_space<vmem_shared>> -> memref<10240x128xf32, #tpu.memory_space<vmem_shared>>
          tpu.enqueue_indirect_dma source(%arg10 : memref<128x128xf32, #tpu.memory_space<vmem>>) target(%dma_start3A_102 : memref<10240x128xf32, #tpu.memory_space<vmem_shared>>) offsets(%dma_start3A_99 : memref<128xi32, #tpu.memory_space<vmem>>) semaphore(%run_scoped3A : memref<!tpu.dma_semaphore, #tpu.memory_space<semaphore_mem>>) {add = true}
          %dma_wait3A_103 = arith.constant 0 : i32
          %dma_wait3A_104 = tpu.memref_slice %arg8[%add3A_96, %dma_wait3A_103] : memref<42x128xi32, #tpu.memory_space<vmem>> -> memref<1x128xi32, #tpu.memory_space<vmem>>
          %dma_wait3A_105 = tpu.memref_squeeze %dma_wait3A_104 : memref<1x128xi32, #tpu.memory_space<vmem>> -> memref<128xi32, #tpu.memory_space<vmem>>
          %dma_wait3A_106 = arith.constant 0 : i32
          %dma_wait3A_107 = arith.constant 0 : i32
          %dma_wait3A_108 = tpu.memref_slice %arg11[%dma_wait3A_106, %dma_wait3A_107] : memref<10240x128xf32, #tpu.memory_space<vmem_shared>> -> memref<10240x128xf32, #tpu.memory_space<vmem_shared>>
          tpu.wait_indirect_dma semaphore(%run_scoped3A : memref<!tpu.dma_semaphore, #tpu.memory_space<semaphore_mem>>) src(%arg10 : memref<128x128xf32, #tpu.memory_space<vmem>>) dst(%dma_wait3A_108 : memref<10240x128xf32, #tpu.memory_space<vmem_shared>>)
          tpu.yield
        }) : () -> ()
      }
      %scan3A_51 = arith.constant 21 : i32
      %dma_wait3A_52 = arith.constant 41 : i32
      %dma_wait3A_53 = arith.constant 0 : i32
      %dma_wait3A_54 = tpu.memref_slice %arg7[%dma_wait3A_52, %dma_wait3A_53] : memref<42x128xi32, #tpu.memory_space<vmem>> -> memref<1x128xi32, #tpu.memory_space<vmem>>
      %dma_wait3A_55 = tpu.memref_squeeze %dma_wait3A_54 : memref<1x128xi32, #tpu.memory_space<vmem>> -> memref<128xi32, #tpu.memory_space<vmem>>
      %dma_wait3A_56 = arith.constant 0 : i32
      %dma_wait3A_57 = arith.constant 0 : i32
      %dma_wait3A_58 = tpu.memref_slice %arg2[%dma_wait3A_56, %dma_wait3A_57] : memref<20480x128xf32, #tpu.memory_space<hbm>> -> memref<20480x128xf32, #tpu.memory_space<hbm>>
      tpu.wait_indirect_dma semaphore(%arg12 : memref<!tpu.dma_semaphore, #tpu.memory_space<semaphore_mem>>) src(%dma_wait3A_58 : memref<20480x128xf32, #tpu.memory_space<hbm>>) dst(%arg9 : memref<128x128xf32, #tpu.memory_space<vmem>>)
    }
    %scan3A_4 = arith.constant 2 : i32
    %barrier3A_5 = arith.constant 0 : index
    tpu.barrier barrier_id(%barrier3A_5)
    "tpu.region"() ({
      %run_scoped3A = tpu.sem_alloc : memref<!tpu.dma_semaphore, #tpu.memory_space<semaphore_mem>>
      %dma_start3A = arith.constant 0 : i32
      %dma_start3A_6 = tpu.memref_slice %arg6[%arg0, %mul3A_0, %dma_start3A] : memref<2x10240x128xf32, #tpu.memory_space<hbm>> -> memref<1x640x128xf32, #tpu.memory_space<hbm>>
      %dma_start3A_7 = tpu.memref_squeeze %dma_start3A_6 : memref<1x640x128xf32, #tpu.memory_space<hbm>> -> memref<640x128xf32, #tpu.memory_space<hbm>>
      %dma_start3A_8 = arith.constant 0 : i32
      %dma_start3A_9 = tpu.memref_slice %arg11[%mul3A_0, %dma_start3A_8] : memref<10240x128xf32, #tpu.memory_space<vmem_shared>> -> memref<640x128xf32, #tpu.memory_space<vmem_shared>>
      tpu.enqueue_dma source(%dma_start3A_9 : memref<640x128xf32, #tpu.memory_space<vmem_shared>>) target(%dma_start3A_7 : memref<640x128xf32, #tpu.memory_space<hbm>>) target_semaphore(%run_scoped3A : memref<!tpu.dma_semaphore, #tpu.memory_space<semaphore_mem>>)
      %dma_wait3A = arith.constant 0 : i32
      %dma_wait3A_10 = tpu.memref_slice %arg6[%arg0, %mul3A_0, %dma_wait3A] : memref<2x10240x128xf32, #tpu.memory_space<hbm>> -> memref<1x640x128xf32, #tpu.memory_space<hbm>>
      %dma_wait3A_11 = tpu.memref_squeeze %dma_wait3A_10 : memref<1x640x128xf32, #tpu.memory_space<hbm>> -> memref<640x128xf32, #tpu.memory_space<hbm>>
      %dma_wait3A_12 = arith.constant 0 : i32
      %dma_wait3A_13 = tpu.memref_slice %arg11[%mul3A_0, %dma_wait3A_12] : memref<10240x128xf32, #tpu.memory_space<vmem_shared>> -> memref<640x128xf32, #tpu.memory_space<vmem_shared>>
      tpu.wait_dma2 semaphore(%run_scoped3A : memref<!tpu.dma_semaphore, #tpu.memory_space<semaphore_mem>>) src(%dma_wait3A_13 : memref<640x128xf32, #tpu.memory_space<vmem_shared>>) dst(%dma_wait3A_11 : memref<640x128xf32, #tpu.memory_space<hbm>>)
      tpu.yield
    }) : () -> ()
    return
  }
}

#map = affine_map<(d0, d1) -> (0, 0)>
#map1 = affine_map<(d0, d1) -> (0, 0, 0, 0, 0)>
#map2 = affine_map<(d0, d1) -> (0, 0, 0, 0)>
#map3 = affine_map<(d0, d1) -> (0, 0, 0)>
module attributes {stable_mosaic.version = 14 : i64} {
  func.func @_sc_agg_body(%arg0: i32, %arg1: i32, %arg2: memref<20480x128xf32, #tpu.memory_space<hbm>>, %arg3: memref<2x16x2x42x128xi32, #tpu.memory_space<hbm>>, %arg4: memref<16x2x42x128xi32, #tpu.memory_space<hbm>>, %arg5: memref<640x128xf32, #tpu.memory_space<hbm>>, %arg6: memref<2x10240x128xf32, #tpu.memory_space<hbm>>, %arg7: memref<42x128xi32, #tpu.memory_space<vmem>>, %arg8: memref<42x128xi32, #tpu.memory_space<vmem>>, %arg9: memref<128x128xf32, #tpu.memory_space<vmem>>, %arg10: memref<128x128xf32, #tpu.memory_space<vmem>>, %arg11: memref<10240x128xf32, #tpu.memory_space<vmem_shared>>, %arg12: memref<!tpu.dma_semaphore, #tpu.memory_space<semaphore_mem>>, %arg13: memref<!tpu.dma_semaphore, #tpu.memory_space<semaphore_mem>>) attributes {dimension_semantics = [#tpu.dimension_semantics<core_parallel>, #tpu.dimension_semantics<subcore_parallel>], iteration_bounds = array<i64: 2, 16>, scalar_prefetch = 0 : i64, scratch_operands = 7 : i64, tpu.core_type = #tpu.core_type<sc_vector_subcore>, window_params = [{transform_indices = #map}, {transform_indices = #map1}, {transform_indices = #map2}, {transform_indices = #map}, {transform_indices = #map3}]} {
    %mul3A = arith.constant 640 : i32
    %mul3A_0 = arith.muli %arg1, %mul3A : i32
    "tpu.region"() ({
      %run_scoped3A = tpu.sem_alloc : memref<!tpu.dma_semaphore, #tpu.memory_space<semaphore_mem>>
      %dma_start3A = arith.constant 0 : i32
      %dma_start3A_6 = tpu.memref_slice %arg11[%mul3A_0, %dma_start3A] : memref<10240x128xf32, #tpu.memory_space<vmem_shared>> -> memref<640x128xf32, #tpu.memory_space<vmem_shared>>
      tpu.enqueue_dma source(%arg5 : memref<640x128xf32, #tpu.memory_space<hbm>>) target(%dma_start3A_6 : memref<640x128xf32, #tpu.memory_space<vmem_shared>>) target_semaphore(%run_scoped3A : memref<!tpu.dma_semaphore, #tpu.memory_space<semaphore_mem>>)
      %dma_wait3A = arith.constant 0 : i32
      %dma_wait3A_7 = tpu.memref_slice %arg11[%mul3A_0, %dma_wait3A] : memref<10240x128xf32, #tpu.memory_space<vmem_shared>> -> memref<640x128xf32, #tpu.memory_space<vmem_shared>>
      tpu.wait_dma2 semaphore(%run_scoped3A : memref<!tpu.dma_semaphore, #tpu.memory_space<semaphore_mem>>) src(%arg5 : memref<640x128xf32, #tpu.memory_space<hbm>>) dst(%dma_wait3A_7 : memref<640x128xf32, #tpu.memory_space<vmem_shared>>)
      tpu.yield
    }) : () -> ()
    %barrier3A = arith.constant 0 : index
    tpu.barrier barrier_id(%barrier3A)
    %scan3A = arith.constant 0 : i32
    %scan3A_1 = arith.constant 2 : i32
    %scan3A_2 = arith.addi %scan3A, %scan3A_1 : i32
    %scan3A_3 = arith.constant 1 : i32
    scf.for %scan3A_6 = %scan3A to %scan3A_2 step %scan3A_3  : i32 {
      %mul3A_7 = arith.constant 1 : i32
      %mul3A_8 = arith.muli %scan3A_6, %mul3A_7 : i32
      %add3A = arith.constant 0 : i32
      %add3A_9 = arith.addi %add3A, %mul3A_8 : i32
      %dma_start3A = arith.constant 0 : i32
      %dma_start3A_10 = arith.constant 0 : i32
      %dma_start3A_11 = tpu.memref_slice %arg3[%arg0, %arg1, %add3A_9, %dma_start3A, %dma_start3A_10] : memref<2x16x2x42x128xi32, #tpu.memory_space<hbm>> -> memref<1x1x1x42x128xi32, #tpu.memory_space<hbm>>
      %dma_start3A_12 = tpu.memref_squeeze %dma_start3A_11 : memref<1x1x1x42x128xi32, #tpu.memory_space<hbm>> -> memref<42x128xi32, #tpu.memory_space<hbm>>
      %dma_start3A_13 = arith.constant 0 : i32
      %dma_start3A_14 = arith.constant 0 : i32
      %dma_start3A_15 = tpu.memref_slice %arg3[%arg0, %arg1, %add3A_9, %dma_start3A_13, %dma_start3A_14] : memref<2x16x2x42x128xi32, #tpu.memory_space<hbm>> -> memref<1x1x1x42x128xi32, #tpu.memory_space<hbm>>
      %dma_start3A_16 = tpu.memref_squeeze %dma_start3A_15 : memref<1x1x1x42x128xi32, #tpu.memory_space<hbm>> -> memref<42x128xi32, #tpu.memory_space<hbm>>
      tpu.enqueue_dma source(%dma_start3A_16 : memref<42x128xi32, #tpu.memory_space<hbm>>) target(%arg7 : memref<42x128xi32, #tpu.memory_space<vmem>>) target_semaphore(%arg12 : memref<!tpu.dma_semaphore, #tpu.memory_space<semaphore_mem>>)
      %dma_wait3A = arith.constant 0 : i32
      %dma_wait3A_17 = arith.constant 0 : i32
      %dma_wait3A_18 = tpu.memref_slice %arg3[%arg0, %arg1, %add3A_9, %dma_wait3A, %dma_wait3A_17] : memref<2x16x2x42x128xi32, #tpu.memory_space<hbm>> -> memref<1x1x1x42x128xi32, #tpu.memory_space<hbm>>
      %dma_wait3A_19 = tpu.memref_squeeze %dma_wait3A_18 : memref<1x1x1x42x128xi32, #tpu.memory_space<hbm>> -> memref<42x128xi32, #tpu.memory_space<hbm>>
      %dma_wait3A_20 = arith.constant 0 : i32
      %dma_wait3A_21 = arith.constant 0 : i32
      %dma_wait3A_22 = tpu.memref_slice %arg3[%arg0, %arg1, %add3A_9, %dma_wait3A_20, %dma_wait3A_21] : memref<2x16x2x42x128xi32, #tpu.memory_space<hbm>> -> memref<1x1x1x42x128xi32, #tpu.memory_space<hbm>>
      %dma_wait3A_23 = tpu.memref_squeeze %dma_wait3A_22 : memref<1x1x1x42x128xi32, #tpu.memory_space<hbm>> -> memref<42x128xi32, #tpu.memory_space<hbm>>
      tpu.wait_dma2 semaphore(%arg12 : memref<!tpu.dma_semaphore, #tpu.memory_space<semaphore_mem>>) src(%dma_wait3A_23 : memref<42x128xi32, #tpu.memory_space<hbm>>) dst(%arg7 : memref<42x128xi32, #tpu.memory_space<vmem>>)
      %dma_start3A_24 = arith.constant 0 : i32
      %dma_start3A_25 = arith.constant 0 : i32
      %dma_start3A_26 = tpu.memref_slice %arg4[%arg1, %add3A_9, %dma_start3A_24, %dma_start3A_25] : memref<16x2x42x128xi32, #tpu.memory_space<hbm>> -> memref<1x1x42x128xi32, #tpu.memory_space<hbm>>
      %dma_start3A_27 = tpu.memref_squeeze %dma_start3A_26 : memref<1x1x42x128xi32, #tpu.memory_space<hbm>> -> memref<42x128xi32, #tpu.memory_space<hbm>>
      %dma_start3A_28 = arith.constant 0 : i32
      %dma_start3A_29 = arith.constant 0 : i32
      %dma_start3A_30 = tpu.memref_slice %arg4[%arg1, %add3A_9, %dma_start3A_28, %dma_start3A_29] : memref<16x2x42x128xi32, #tpu.memory_space<hbm>> -> memref<1x1x42x128xi32, #tpu.memory_space<hbm>>
      %dma_start3A_31 = tpu.memref_squeeze %dma_start3A_30 : memref<1x1x42x128xi32, #tpu.memory_space<hbm>> -> memref<42x128xi32, #tpu.memory_space<hbm>>
      tpu.enqueue_dma source(%dma_start3A_31 : memref<42x128xi32, #tpu.memory_space<hbm>>) target(%arg8 : memref<42x128xi32, #tpu.memory_space<vmem>>) target_semaphore(%arg12 : memref<!tpu.dma_semaphore, #tpu.memory_space<semaphore_mem>>)
      %dma_wait3A_32 = arith.constant 0 : i32
      %dma_wait3A_33 = arith.constant 0 : i32
      %dma_wait3A_34 = tpu.memref_slice %arg4[%arg1, %add3A_9, %dma_wait3A_32, %dma_wait3A_33] : memref<16x2x42x128xi32, #tpu.memory_space<hbm>> -> memref<1x1x42x128xi32, #tpu.memory_space<hbm>>
      %dma_wait3A_35 = tpu.memref_squeeze %dma_wait3A_34 : memref<1x1x42x128xi32, #tpu.memory_space<hbm>> -> memref<42x128xi32, #tpu.memory_space<hbm>>
      %dma_wait3A_36 = arith.constant 0 : i32
      %dma_wait3A_37 = arith.constant 0 : i32
      %dma_wait3A_38 = tpu.memref_slice %arg4[%arg1, %add3A_9, %dma_wait3A_36, %dma_wait3A_37] : memref<16x2x42x128xi32, #tpu.memory_space<hbm>> -> memref<1x1x42x128xi32, #tpu.memory_space<hbm>>
      %dma_wait3A_39 = tpu.memref_squeeze %dma_wait3A_38 : memref<1x1x42x128xi32, #tpu.memory_space<hbm>> -> memref<42x128xi32, #tpu.memory_space<hbm>>
      tpu.wait_dma2 semaphore(%arg12 : memref<!tpu.dma_semaphore, #tpu.memory_space<semaphore_mem>>) src(%dma_wait3A_39 : memref<42x128xi32, #tpu.memory_space<hbm>>) dst(%arg8 : memref<42x128xi32, #tpu.memory_space<vmem>>)
      %dma_start3A_40 = arith.constant 0 : i32
      %dma_start3A_41 = arith.constant 0 : i32
      %dma_start3A_42 = tpu.memref_slice %arg7[%dma_start3A_40, %dma_start3A_41] : memref<42x128xi32, #tpu.memory_space<vmem>> -> memref<1x128xi32, #tpu.memory_space<vmem>>
      %dma_start3A_43 = tpu.memref_squeeze %dma_start3A_42 : memref<1x128xi32, #tpu.memory_space<vmem>> -> memref<128xi32, #tpu.memory_space<vmem>>
      %dma_start3A_44 = arith.constant 0 : i32
      %dma_start3A_45 = arith.constant 0 : i32
      %dma_start3A_46 = tpu.memref_slice %arg2[%dma_start3A_44, %dma_start3A_45] : memref<20480x128xf32, #tpu.memory_space<hbm>> -> memref<20480x128xf32, #tpu.memory_space<hbm>>
      tpu.enqueue_indirect_dma source(%dma_start3A_46 : memref<20480x128xf32, #tpu.memory_space<hbm>>) target(%arg9 : memref<128x128xf32, #tpu.memory_space<vmem>>) offsets(%dma_start3A_43 : memref<128xi32, #tpu.memory_space<vmem>>) semaphore(%arg12 : memref<!tpu.dma_semaphore, #tpu.memory_space<semaphore_mem>>)
      %scan3A_47 = arith.constant 0 : i32
      %scan3A_48 = arith.constant 21 : i32
      %scan3A_49 = arith.addi %scan3A_47, %scan3A_48 : i32
      %scan3A_50 = arith.constant 1 : i32
      scf.for %scan3A_59 = %scan3A_47 to %scan3A_49 step %scan3A_50  : i32 {
        %mul3A_60 = arith.constant 2 : i32
        %mul3A_61 = arith.muli %scan3A_59, %mul3A_60 : i32
        %add3A_62 = arith.constant 0 : i32
        %add3A_63 = arith.addi %add3A_62, %mul3A_61 : i32
        %dma_wait3A_64 = arith.constant 0 : i32
        %dma_wait3A_65 = tpu.memref_slice %arg7[%add3A_63, %dma_wait3A_64] : memref<42x128xi32, #tpu.memory_space<vmem>> -> memref<1x128xi32, #tpu.memory_space<vmem>>
        %dma_wait3A_66 = tpu.memref_squeeze %dma_wait3A_65 : memref<1x128xi32, #tpu.memory_space<vmem>> -> memref<128xi32, #tpu.memory_space<vmem>>
        %dma_wait3A_67 = arith.constant 0 : i32
        %dma_wait3A_68 = arith.constant 0 : i32
        %dma_wait3A_69 = tpu.memref_slice %arg2[%dma_wait3A_67, %dma_wait3A_68] : memref<20480x128xf32, #tpu.memory_space<hbm>> -> memref<20480x128xf32, #tpu.memory_space<hbm>>
        tpu.wait_indirect_dma semaphore(%arg12 : memref<!tpu.dma_semaphore, #tpu.memory_space<semaphore_mem>>) src(%dma_wait3A_69 : memref<20480x128xf32, #tpu.memory_space<hbm>>) dst(%arg9 : memref<128x128xf32, #tpu.memory_space<vmem>>)
        %add3A_70 = arith.constant 1 : i32
        %add3A_71 = arith.addi %add3A_63, %add3A_70 : i32
        %dma_start3A_72 = arith.constant 0 : i32
        %dma_start3A_73 = tpu.memref_slice %arg7[%add3A_71, %dma_start3A_72] : memref<42x128xi32, #tpu.memory_space<vmem>> -> memref<1x128xi32, #tpu.memory_space<vmem>>
        %dma_start3A_74 = tpu.memref_squeeze %dma_start3A_73 : memref<1x128xi32, #tpu.memory_space<vmem>> -> memref<128xi32, #tpu.memory_space<vmem>>
        %dma_start3A_75 = arith.constant 0 : i32
        %dma_start3A_76 = arith.constant 0 : i32
        %dma_start3A_77 = tpu.memref_slice %arg2[%dma_start3A_75, %dma_start3A_76] : memref<20480x128xf32, #tpu.memory_space<hbm>> -> memref<20480x128xf32, #tpu.memory_space<hbm>>
        tpu.enqueue_indirect_dma source(%dma_start3A_77 : memref<20480x128xf32, #tpu.memory_space<hbm>>) target(%arg10 : memref<128x128xf32, #tpu.memory_space<vmem>>) offsets(%dma_start3A_74 : memref<128xi32, #tpu.memory_space<vmem>>) semaphore(%arg13 : memref<!tpu.dma_semaphore, #tpu.memory_space<semaphore_mem>>)
        "tpu.region"() ({
          %run_scoped3A = tpu.sem_alloc : memref<!tpu.dma_semaphore, #tpu.memory_space<semaphore_mem>>
          %dma_start3A_97 = arith.constant 0 : i32
          %dma_start3A_98 = tpu.memref_slice %arg8[%add3A_63, %dma_start3A_97] : memref<42x128xi32, #tpu.memory_space<vmem>> -> memref<1x128xi32, #tpu.memory_space<vmem>>
          %dma_start3A_99 = tpu.memref_squeeze %dma_start3A_98 : memref<1x128xi32, #tpu.memory_space<vmem>> -> memref<128xi32, #tpu.memory_space<vmem>>
          %dma_start3A_100 = arith.constant 0 : i32
          %dma_start3A_101 = arith.constant 0 : i32
          %dma_start3A_102 = tpu.memref_slice %arg11[%dma_start3A_100, %dma_start3A_101] : memref<10240x128xf32, #tpu.memory_space<vmem_shared>> -> memref<10240x128xf32, #tpu.memory_space<vmem_shared>>
          tpu.enqueue_indirect_dma source(%arg9 : memref<128x128xf32, #tpu.memory_space<vmem>>) target(%dma_start3A_102 : memref<10240x128xf32, #tpu.memory_space<vmem_shared>>) offsets(%dma_start3A_99 : memref<128xi32, #tpu.memory_space<vmem>>) semaphore(%run_scoped3A : memref<!tpu.dma_semaphore, #tpu.memory_space<semaphore_mem>>) {add = true}
          %dma_wait3A_103 = arith.constant 0 : i32
          %dma_wait3A_104 = tpu.memref_slice %arg8[%add3A_63, %dma_wait3A_103] : memref<42x128xi32, #tpu.memory_space<vmem>> -> memref<1x128xi32, #tpu.memory_space<vmem>>
          %dma_wait3A_105 = tpu.memref_squeeze %dma_wait3A_104 : memref<1x128xi32, #tpu.memory_space<vmem>> -> memref<128xi32, #tpu.memory_space<vmem>>
          %dma_wait3A_106 = arith.constant 0 : i32
          %dma_wait3A_107 = arith.constant 0 : i32
          %dma_wait3A_108 = tpu.memref_slice %arg11[%dma_wait3A_106, %dma_wait3A_107] : memref<10240x128xf32, #tpu.memory_space<vmem_shared>> -> memref<10240x128xf32, #tpu.memory_space<vmem_shared>>
          tpu.wait_indirect_dma semaphore(%run_scoped3A : memref<!tpu.dma_semaphore, #tpu.memory_space<semaphore_mem>>) src(%arg9 : memref<128x128xf32, #tpu.memory_space<vmem>>) dst(%dma_wait3A_108 : memref<10240x128xf32, #tpu.memory_space<vmem_shared>>)
          tpu.yield
        }) : () -> ()
        %add3A_78 = arith.constant 2 : i32
        %add3A_79 = arith.addi %add3A_63, %add3A_78 : i32
        %min3A = arith.constant 41 : i32
        %min3A_80 = arith.minsi %add3A_79, %min3A : i32
        %add3A_81 = arith.constant 1 : i32
        %add3A_82 = arith.addi %add3A_63, %add3A_81 : i32
        %dma_wait3A_83 = arith.constant 0 : i32
        %dma_wait3A_84 = tpu.memref_slice %arg7[%add3A_82, %dma_wait3A_83] : memref<42x128xi32, #tpu.memory_space<vmem>> -> memref<1x128xi32, #tpu.memory_space<vmem>>
        %dma_wait3A_85 = tpu.memref_squeeze %dma_wait3A_84 : memref<1x128xi32, #tpu.memory_space<vmem>> -> memref<128xi32, #tpu.memory_space<vmem>>
        %dma_wait3A_86 = arith.constant 0 : i32
        %dma_wait3A_87 = arith.constant 0 : i32
        %dma_wait3A_88 = tpu.memref_slice %arg2[%dma_wait3A_86, %dma_wait3A_87] : memref<20480x128xf32, #tpu.memory_space<hbm>> -> memref<20480x128xf32, #tpu.memory_space<hbm>>
        tpu.wait_indirect_dma semaphore(%arg13 : memref<!tpu.dma_semaphore, #tpu.memory_space<semaphore_mem>>) src(%dma_wait3A_88 : memref<20480x128xf32, #tpu.memory_space<hbm>>) dst(%arg10 : memref<128x128xf32, #tpu.memory_space<vmem>>)
        %dma_start3A_89 = arith.constant 0 : i32
        %dma_start3A_90 = tpu.memref_slice %arg7[%min3A_80, %dma_start3A_89] : memref<42x128xi32, #tpu.memory_space<vmem>> -> memref<1x128xi32, #tpu.memory_space<vmem>>
        %dma_start3A_91 = tpu.memref_squeeze %dma_start3A_90 : memref<1x128xi32, #tpu.memory_space<vmem>> -> memref<128xi32, #tpu.memory_space<vmem>>
        %dma_start3A_92 = arith.constant 0 : i32
        %dma_start3A_93 = arith.constant 0 : i32
        %dma_start3A_94 = tpu.memref_slice %arg2[%dma_start3A_92, %dma_start3A_93] : memref<20480x128xf32, #tpu.memory_space<hbm>> -> memref<20480x128xf32, #tpu.memory_space<hbm>>
        tpu.enqueue_indirect_dma source(%dma_start3A_94 : memref<20480x128xf32, #tpu.memory_space<hbm>>) target(%arg9 : memref<128x128xf32, #tpu.memory_space<vmem>>) offsets(%dma_start3A_91 : memref<128xi32, #tpu.memory_space<vmem>>) semaphore(%arg12 : memref<!tpu.dma_semaphore, #tpu.memory_space<semaphore_mem>>)
        %add3A_95 = arith.constant 1 : i32
        %add3A_96 = arith.addi %add3A_63, %add3A_95 : i32
        "tpu.region"() ({
          %run_scoped3A = tpu.sem_alloc : memref<!tpu.dma_semaphore, #tpu.memory_space<semaphore_mem>>
          %dma_start3A_97 = arith.constant 0 : i32
          %dma_start3A_98 = tpu.memref_slice %arg8[%add3A_96, %dma_start3A_97] : memref<42x128xi32, #tpu.memory_space<vmem>> -> memref<1x128xi32, #tpu.memory_space<vmem>>
          %dma_start3A_99 = tpu.memref_squeeze %dma_start3A_98 : memref<1x128xi32, #tpu.memory_space<vmem>> -> memref<128xi32, #tpu.memory_space<vmem>>
          %dma_start3A_100 = arith.constant 0 : i32
          %dma_start3A_101 = arith.constant 0 : i32
          %dma_start3A_102 = tpu.memref_slice %arg11[%dma_start3A_100, %dma_start3A_101] : memref<10240x128xf32, #tpu.memory_space<vmem_shared>> -> memref<10240x128xf32, #tpu.memory_space<vmem_shared>>
          tpu.enqueue_indirect_dma source(%arg10 : memref<128x128xf32, #tpu.memory_space<vmem>>) target(%dma_start3A_102 : memref<10240x128xf32, #tpu.memory_space<vmem_shared>>) offsets(%dma_start3A_99 : memref<128xi32, #tpu.memory_space<vmem>>) semaphore(%run_scoped3A : memref<!tpu.dma_semaphore, #tpu.memory_space<semaphore_mem>>) {add = true}
          %dma_wait3A_103 = arith.constant 0 : i32
          %dma_wait3A_104 = tpu.memref_slice %arg8[%add3A_96, %dma_wait3A_103] : memref<42x128xi32, #tpu.memory_space<vmem>> -> memref<1x128xi32, #tpu.memory_space<vmem>>
          %dma_wait3A_105 = tpu.memref_squeeze %dma_wait3A_104 : memref<1x128xi32, #tpu.memory_space<vmem>> -> memref<128xi32, #tpu.memory_space<vmem>>
          %dma_wait3A_106 = arith.constant 0 : i32
          %dma_wait3A_107 = arith.constant 0 : i32
          %dma_wait3A_108 = tpu.memref_slice %arg11[%dma_wait3A_106, %dma_wait3A_107] : memref<10240x128xf32, #tpu.memory_space<vmem_shared>> -> memref<10240x128xf32, #tpu.memory_space<vmem_shared>>
          tpu.wait_indirect_dma semaphore(%run_scoped3A : memref<!tpu.dma_semaphore, #tpu.memory_space<semaphore_mem>>) src(%arg10 : memref<128x128xf32, #tpu.memory_space<vmem>>) dst(%dma_wait3A_108 : memref<10240x128xf32, #tpu.memory_space<vmem_shared>>)
          tpu.yield
        }) : () -> ()
      }
      %scan3A_51 = arith.constant 21 : i32
      %dma_wait3A_52 = arith.constant 41 : i32
      %dma_wait3A_53 = arith.constant 0 : i32
      %dma_wait3A_54 = tpu.memref_slice %arg7[%dma_wait3A_52, %dma_wait3A_53] : memref<42x128xi32, #tpu.memory_space<vmem>> -> memref<1x128xi32, #tpu.memory_space<vmem>>
      %dma_wait3A_55 = tpu.memref_squeeze %dma_wait3A_54 : memref<1x128xi32, #tpu.memory_space<vmem>> -> memref<128xi32, #tpu.memory_space<vmem>>
      %dma_wait3A_56 = arith.constant 0 : i32
      %dma_wait3A_57 = arith.constant 0 : i32
      %dma_wait3A_58 = tpu.memref_slice %arg2[%dma_wait3A_56, %dma_wait3A_57] : memref<20480x128xf32, #tpu.memory_space<hbm>> -> memref<20480x128xf32, #tpu.memory_space<hbm>>
      tpu.wait_indirect_dma semaphore(%arg12 : memref<!tpu.dma_semaphore, #tpu.memory_space<semaphore_mem>>) src(%dma_wait3A_58 : memref<20480x128xf32, #tpu.memory_space<hbm>>) dst(%arg9 : memref<128x128xf32, #tpu.memory_space<vmem>>)
    }
    %scan3A_4 = arith.constant 2 : i32
    %barrier3A_5 = arith.constant 0 : index
    tpu.barrier barrier_id(%barrier3A_5)
    "tpu.region"() ({
      %run_scoped3A = tpu.sem_alloc : memref<!tpu.dma_semaphore, #tpu.memory_space<semaphore_mem>>
      %dma_start3A = arith.constant 0 : i32
      %dma_start3A_6 = tpu.memref_slice %arg6[%arg0, %mul3A_0, %dma_start3A] : memref<2x10240x128xf32, #tpu.memory_space<hbm>> -> memref<1x640x128xf32, #tpu.memory_space<hbm>>
      %dma_start3A_7 = tpu.memref_squeeze %dma_start3A_6 : memref<1x640x128xf32, #tpu.memory_space<hbm>> -> memref<640x128xf32, #tpu.memory_space<hbm>>
      %dma_start3A_8 = arith.constant 0 : i32
      %dma_start3A_9 = tpu.memref_slice %arg11[%mul3A_0, %dma_start3A_8] : memref<10240x128xf32, #tpu.memory_space<vmem_shared>> -> memref<640x128xf32, #tpu.memory_space<vmem_shared>>
      tpu.enqueue_dma source(%dma_start3A_9 : memref<640x128xf32, #tpu.memory_space<vmem_shared>>) target(%dma_start3A_7 : memref<640x128xf32, #tpu.memory_space<hbm>>) target_semaphore(%run_scoped3A : memref<!tpu.dma_semaphore, #tpu.memory_space<semaphore_mem>>)
      %dma_wait3A = arith.constant 0 : i32
      %dma_wait3A_10 = tpu.memref_slice %arg6[%arg0, %mul3A_0, %dma_wait3A] : memref<2x10240x128xf32, #tpu.memory_space<hbm>> -> memref<1x640x128xf32, #tpu.memory_space<hbm>>
      %dma_wait3A_11 = tpu.memref_squeeze %dma_wait3A_10 : memref<1x640x128xf32, #tpu.memory_space<hbm>> -> memref<640x128xf32, #tpu.memory_space<hbm>>
      %dma_wait3A_12 = arith.constant 0 : i32
      %dma_wait3A_13 = tpu.memref_slice %arg11[%mul3A_0, %dma_wait3A_12] : memref<10240x128xf32, #tpu.memory_space<vmem_shared>> -> memref<640x128xf32, #tpu.memory_space<vmem_shared>>
      tpu.wait_dma2 semaphore(%run_scoped3A : memref<!tpu.dma_semaphore, #tpu.memory_space<semaphore_mem>>) src(%dma_wait3A_13 : memref<640x128xf32, #tpu.memory_space<vmem_shared>>) dst(%dma_wait3A_11 : memref<640x128xf32, #tpu.memory_space<hbm>>)
      tpu.yield
    }) : () -> ()
    return
  }
}

#map = affine_map<(d0, d1) -> (0, 0)>
#map1 = affine_map<(d0, d1) -> (0, 0, 0, 0, 0)>
#map2 = affine_map<(d0, d1) -> (0, 0, 0, 0)>
#map3 = affine_map<(d0, d1) -> (0, 0, 0)>
module attributes {stable_mosaic.version = 14 : i64} {
  func.func @_sc_agg_body(%arg0: i32, %arg1: i32, %arg2: memref<20480x128xf32, #tpu.memory_space<hbm>>, %arg3: memref<2x16x2x42x128xi32, #tpu.memory_space<hbm>>, %arg4: memref<16x2x42x128xi32, #tpu.memory_space<hbm>>, %arg5: memref<640x128xf32, #tpu.memory_space<hbm>>, %arg6: memref<2x10240x128xf32, #tpu.memory_space<hbm>>, %arg7: memref<42x128xi32, #tpu.memory_space<vmem>>, %arg8: memref<42x128xi32, #tpu.memory_space<vmem>>, %arg9: memref<128x128xf32, #tpu.memory_space<vmem>>, %arg10: memref<128x128xf32, #tpu.memory_space<vmem>>, %arg11: memref<10240x128xf32, #tpu.memory_space<vmem_shared>>, %arg12: memref<!tpu.dma_semaphore, #tpu.memory_space<semaphore_mem>>, %arg13: memref<!tpu.dma_semaphore, #tpu.memory_space<semaphore_mem>>) attributes {dimension_semantics = [#tpu.dimension_semantics<core_parallel>, #tpu.dimension_semantics<subcore_parallel>], iteration_bounds = array<i64: 2, 16>, scalar_prefetch = 0 : i64, scratch_operands = 7 : i64, tpu.core_type = #tpu.core_type<sc_vector_subcore>, window_params = [{transform_indices = #map}, {transform_indices = #map1}, {transform_indices = #map2}, {transform_indices = #map}, {transform_indices = #map3}]} {
    %mul3A = arith.constant 640 : i32
    %mul3A_0 = arith.muli %arg1, %mul3A : i32
    "tpu.region"() ({
      %run_scoped3A = tpu.sem_alloc : memref<!tpu.dma_semaphore, #tpu.memory_space<semaphore_mem>>
      %dma_start3A = arith.constant 0 : i32
      %dma_start3A_6 = tpu.memref_slice %arg11[%mul3A_0, %dma_start3A] : memref<10240x128xf32, #tpu.memory_space<vmem_shared>> -> memref<640x128xf32, #tpu.memory_space<vmem_shared>>
      tpu.enqueue_dma source(%arg5 : memref<640x128xf32, #tpu.memory_space<hbm>>) target(%dma_start3A_6 : memref<640x128xf32, #tpu.memory_space<vmem_shared>>) target_semaphore(%run_scoped3A : memref<!tpu.dma_semaphore, #tpu.memory_space<semaphore_mem>>)
      %dma_wait3A = arith.constant 0 : i32
      %dma_wait3A_7 = tpu.memref_slice %arg11[%mul3A_0, %dma_wait3A] : memref<10240x128xf32, #tpu.memory_space<vmem_shared>> -> memref<640x128xf32, #tpu.memory_space<vmem_shared>>
      tpu.wait_dma2 semaphore(%run_scoped3A : memref<!tpu.dma_semaphore, #tpu.memory_space<semaphore_mem>>) src(%arg5 : memref<640x128xf32, #tpu.memory_space<hbm>>) dst(%dma_wait3A_7 : memref<640x128xf32, #tpu.memory_space<vmem_shared>>)
      tpu.yield
    }) : () -> ()
    %barrier3A = arith.constant 0 : index
    tpu.barrier barrier_id(%barrier3A)
    %scan3A = arith.constant 0 : i32
    %scan3A_1 = arith.constant 2 : i32
    %scan3A_2 = arith.addi %scan3A, %scan3A_1 : i32
    %scan3A_3 = arith.constant 1 : i32
    scf.for %scan3A_6 = %scan3A to %scan3A_2 step %scan3A_3  : i32 {
      %mul3A_7 = arith.constant 1 : i32
      %mul3A_8 = arith.muli %scan3A_6, %mul3A_7 : i32
      %add3A = arith.constant 0 : i32
      %add3A_9 = arith.addi %add3A, %mul3A_8 : i32
      %dma_start3A = arith.constant 0 : i32
      %dma_start3A_10 = arith.constant 0 : i32
      %dma_start3A_11 = tpu.memref_slice %arg3[%arg0, %arg1, %add3A_9, %dma_start3A, %dma_start3A_10] : memref<2x16x2x42x128xi32, #tpu.memory_space<hbm>> -> memref<1x1x1x42x128xi32, #tpu.memory_space<hbm>>
      %dma_start3A_12 = tpu.memref_squeeze %dma_start3A_11 : memref<1x1x1x42x128xi32, #tpu.memory_space<hbm>> -> memref<42x128xi32, #tpu.memory_space<hbm>>
      %dma_start3A_13 = arith.constant 0 : i32
      %dma_start3A_14 = arith.constant 0 : i32
      %dma_start3A_15 = tpu.memref_slice %arg3[%arg0, %arg1, %add3A_9, %dma_start3A_13, %dma_start3A_14] : memref<2x16x2x42x128xi32, #tpu.memory_space<hbm>> -> memref<1x1x1x42x128xi32, #tpu.memory_space<hbm>>
      %dma_start3A_16 = tpu.memref_squeeze %dma_start3A_15 : memref<1x1x1x42x128xi32, #tpu.memory_space<hbm>> -> memref<42x128xi32, #tpu.memory_space<hbm>>
      tpu.enqueue_dma source(%dma_start3A_16 : memref<42x128xi32, #tpu.memory_space<hbm>>) target(%arg7 : memref<42x128xi32, #tpu.memory_space<vmem>>) target_semaphore(%arg12 : memref<!tpu.dma_semaphore, #tpu.memory_space<semaphore_mem>>)
      %dma_wait3A = arith.constant 0 : i32
      %dma_wait3A_17 = arith.constant 0 : i32
      %dma_wait3A_18 = tpu.memref_slice %arg3[%arg0, %arg1, %add3A_9, %dma_wait3A, %dma_wait3A_17] : memref<2x16x2x42x128xi32, #tpu.memory_space<hbm>> -> memref<1x1x1x42x128xi32, #tpu.memory_space<hbm>>
      %dma_wait3A_19 = tpu.memref_squeeze %dma_wait3A_18 : memref<1x1x1x42x128xi32, #tpu.memory_space<hbm>> -> memref<42x128xi32, #tpu.memory_space<hbm>>
      %dma_wait3A_20 = arith.constant 0 : i32
      %dma_wait3A_21 = arith.constant 0 : i32
      %dma_wait3A_22 = tpu.memref_slice %arg3[%arg0, %arg1, %add3A_9, %dma_wait3A_20, %dma_wait3A_21] : memref<2x16x2x42x128xi32, #tpu.memory_space<hbm>> -> memref<1x1x1x42x128xi32, #tpu.memory_space<hbm>>
      %dma_wait3A_23 = tpu.memref_squeeze %dma_wait3A_22 : memref<1x1x1x42x128xi32, #tpu.memory_space<hbm>> -> memref<42x128xi32, #tpu.memory_space<hbm>>
      tpu.wait_dma2 semaphore(%arg12 : memref<!tpu.dma_semaphore, #tpu.memory_space<semaphore_mem>>) src(%dma_wait3A_23 : memref<42x128xi32, #tpu.memory_space<hbm>>) dst(%arg7 : memref<42x128xi32, #tpu.memory_space<vmem>>)
      %dma_start3A_24 = arith.constant 0 : i32
      %dma_start3A_25 = arith.constant 0 : i32
      %dma_start3A_26 = tpu.memref_slice %arg4[%arg1, %add3A_9, %dma_start3A_24, %dma_start3A_25] : memref<16x2x42x128xi32, #tpu.memory_space<hbm>> -> memref<1x1x42x128xi32, #tpu.memory_space<hbm>>
      %dma_start3A_27 = tpu.memref_squeeze %dma_start3A_26 : memref<1x1x42x128xi32, #tpu.memory_space<hbm>> -> memref<42x128xi32, #tpu.memory_space<hbm>>
      %dma_start3A_28 = arith.constant 0 : i32
      %dma_start3A_29 = arith.constant 0 : i32
      %dma_start3A_30 = tpu.memref_slice %arg4[%arg1, %add3A_9, %dma_start3A_28, %dma_start3A_29] : memref<16x2x42x128xi32, #tpu.memory_space<hbm>> -> memref<1x1x42x128xi32, #tpu.memory_space<hbm>>
      %dma_start3A_31 = tpu.memref_squeeze %dma_start3A_30 : memref<1x1x42x128xi32, #tpu.memory_space<hbm>> -> memref<42x128xi32, #tpu.memory_space<hbm>>
      tpu.enqueue_dma source(%dma_start3A_31 : memref<42x128xi32, #tpu.memory_space<hbm>>) target(%arg8 : memref<42x128xi32, #tpu.memory_space<vmem>>) target_semaphore(%arg12 : memref<!tpu.dma_semaphore, #tpu.memory_space<semaphore_mem>>)
      %dma_wait3A_32 = arith.constant 0 : i32
      %dma_wait3A_33 = arith.constant 0 : i32
      %dma_wait3A_34 = tpu.memref_slice %arg4[%arg1, %add3A_9, %dma_wait3A_32, %dma_wait3A_33] : memref<16x2x42x128xi32, #tpu.memory_space<hbm>> -> memref<1x1x42x128xi32, #tpu.memory_space<hbm>>
      %dma_wait3A_35 = tpu.memref_squeeze %dma_wait3A_34 : memref<1x1x42x128xi32, #tpu.memory_space<hbm>> -> memref<42x128xi32, #tpu.memory_space<hbm>>
      %dma_wait3A_36 = arith.constant 0 : i32
      %dma_wait3A_37 = arith.constant 0 : i32
      %dma_wait3A_38 = tpu.memref_slice %arg4[%arg1, %add3A_9, %dma_wait3A_36, %dma_wait3A_37] : memref<16x2x42x128xi32, #tpu.memory_space<hbm>> -> memref<1x1x42x128xi32, #tpu.memory_space<hbm>>
      %dma_wait3A_39 = tpu.memref_squeeze %dma_wait3A_38 : memref<1x1x42x128xi32, #tpu.memory_space<hbm>> -> memref<42x128xi32, #tpu.memory_space<hbm>>
      tpu.wait_dma2 semaphore(%arg12 : memref<!tpu.dma_semaphore, #tpu.memory_space<semaphore_mem>>) src(%dma_wait3A_39 : memref<42x128xi32, #tpu.memory_space<hbm>>) dst(%arg8 : memref<42x128xi32, #tpu.memory_space<vmem>>)
      %dma_start3A_40 = arith.constant 0 : i32
      %dma_start3A_41 = arith.constant 0 : i32
      %dma_start3A_42 = tpu.memref_slice %arg7[%dma_start3A_40, %dma_start3A_41] : memref<42x128xi32, #tpu.memory_space<vmem>> -> memref<1x128xi32, #tpu.memory_space<vmem>>
      %dma_start3A_43 = tpu.memref_squeeze %dma_start3A_42 : memref<1x128xi32, #tpu.memory_space<vmem>> -> memref<128xi32, #tpu.memory_space<vmem>>
      %dma_start3A_44 = arith.constant 0 : i32
      %dma_start3A_45 = arith.constant 0 : i32
      %dma_start3A_46 = tpu.memref_slice %arg2[%dma_start3A_44, %dma_start3A_45] : memref<20480x128xf32, #tpu.memory_space<hbm>> -> memref<20480x128xf32, #tpu.memory_space<hbm>>
      tpu.enqueue_indirect_dma source(%dma_start3A_46 : memref<20480x128xf32, #tpu.memory_space<hbm>>) target(%arg9 : memref<128x128xf32, #tpu.memory_space<vmem>>) offsets(%dma_start3A_43 : memref<128xi32, #tpu.memory_space<vmem>>) semaphore(%arg12 : memref<!tpu.dma_semaphore, #tpu.memory_space<semaphore_mem>>)
      %scan3A_47 = arith.constant 0 : i32
      %scan3A_48 = arith.constant 21 : i32
      %scan3A_49 = arith.addi %scan3A_47, %scan3A_48 : i32
      %scan3A_50 = arith.constant 1 : i32
      scf.for %scan3A_59 = %scan3A_47 to %scan3A_49 step %scan3A_50  : i32 {
        %mul3A_60 = arith.constant 2 : i32
        %mul3A_61 = arith.muli %scan3A_59, %mul3A_60 : i32
        %add3A_62 = arith.constant 0 : i32
        %add3A_63 = arith.addi %add3A_62, %mul3A_61 : i32
        %dma_wait3A_64 = arith.constant 0 : i32
        %dma_wait3A_65 = tpu.memref_slice %arg7[%add3A_63, %dma_wait3A_64] : memref<42x128xi32, #tpu.memory_space<vmem>> -> memref<1x128xi32, #tpu.memory_space<vmem>>
        %dma_wait3A_66 = tpu.memref_squeeze %dma_wait3A_65 : memref<1x128xi32, #tpu.memory_space<vmem>> -> memref<128xi32, #tpu.memory_space<vmem>>
        %dma_wait3A_67 = arith.constant 0 : i32
        %dma_wait3A_68 = arith.constant 0 : i32
        %dma_wait3A_69 = tpu.memref_slice %arg2[%dma_wait3A_67, %dma_wait3A_68] : memref<20480x128xf32, #tpu.memory_space<hbm>> -> memref<20480x128xf32, #tpu.memory_space<hbm>>
        tpu.wait_indirect_dma semaphore(%arg12 : memref<!tpu.dma_semaphore, #tpu.memory_space<semaphore_mem>>) src(%dma_wait3A_69 : memref<20480x128xf32, #tpu.memory_space<hbm>>) dst(%arg9 : memref<128x128xf32, #tpu.memory_space<vmem>>)
        %add3A_70 = arith.constant 1 : i32
        %add3A_71 = arith.addi %add3A_63, %add3A_70 : i32
        %dma_start3A_72 = arith.constant 0 : i32
        %dma_start3A_73 = tpu.memref_slice %arg7[%add3A_71, %dma_start3A_72] : memref<42x128xi32, #tpu.memory_space<vmem>> -> memref<1x128xi32, #tpu.memory_space<vmem>>
        %dma_start3A_74 = tpu.memref_squeeze %dma_start3A_73 : memref<1x128xi32, #tpu.memory_space<vmem>> -> memref<128xi32, #tpu.memory_space<vmem>>
        %dma_start3A_75 = arith.constant 0 : i32
        %dma_start3A_76 = arith.constant 0 : i32
        %dma_start3A_77 = tpu.memref_slice %arg2[%dma_start3A_75, %dma_start3A_76] : memref<20480x128xf32, #tpu.memory_space<hbm>> -> memref<20480x128xf32, #tpu.memory_space<hbm>>
        tpu.enqueue_indirect_dma source(%dma_start3A_77 : memref<20480x128xf32, #tpu.memory_space<hbm>>) target(%arg10 : memref<128x128xf32, #tpu.memory_space<vmem>>) offsets(%dma_start3A_74 : memref<128xi32, #tpu.memory_space<vmem>>) semaphore(%arg13 : memref<!tpu.dma_semaphore, #tpu.memory_space<semaphore_mem>>)
        "tpu.region"() ({
          %run_scoped3A = tpu.sem_alloc : memref<!tpu.dma_semaphore, #tpu.memory_space<semaphore_mem>>
          %dma_start3A_97 = arith.constant 0 : i32
          %dma_start3A_98 = tpu.memref_slice %arg8[%add3A_63, %dma_start3A_97] : memref<42x128xi32, #tpu.memory_space<vmem>> -> memref<1x128xi32, #tpu.memory_space<vmem>>
          %dma_start3A_99 = tpu.memref_squeeze %dma_start3A_98 : memref<1x128xi32, #tpu.memory_space<vmem>> -> memref<128xi32, #tpu.memory_space<vmem>>
          %dma_start3A_100 = arith.constant 0 : i32
          %dma_start3A_101 = arith.constant 0 : i32
          %dma_start3A_102 = tpu.memref_slice %arg11[%dma_start3A_100, %dma_start3A_101] : memref<10240x128xf32, #tpu.memory_space<vmem_shared>> -> memref<10240x128xf32, #tpu.memory_space<vmem_shared>>
          tpu.enqueue_indirect_dma source(%arg9 : memref<128x128xf32, #tpu.memory_space<vmem>>) target(%dma_start3A_102 : memref<10240x128xf32, #tpu.memory_space<vmem_shared>>) offsets(%dma_start3A_99 : memref<128xi32, #tpu.memory_space<vmem>>) semaphore(%run_scoped3A : memref<!tpu.dma_semaphore, #tpu.memory_space<semaphore_mem>>) {add = true}
          %dma_wait3A_103 = arith.constant 0 : i32
          %dma_wait3A_104 = tpu.memref_slice %arg8[%add3A_63, %dma_wait3A_103] : memref<42x128xi32, #tpu.memory_space<vmem>> -> memref<1x128xi32, #tpu.memory_space<vmem>>
          %dma_wait3A_105 = tpu.memref_squeeze %dma_wait3A_104 : memref<1x128xi32, #tpu.memory_space<vmem>> -> memref<128xi32, #tpu.memory_space<vmem>>
          %dma_wait3A_106 = arith.constant 0 : i32
          %dma_wait3A_107 = arith.constant 0 : i32
          %dma_wait3A_108 = tpu.memref_slice %arg11[%dma_wait3A_106, %dma_wait3A_107] : memref<10240x128xf32, #tpu.memory_space<vmem_shared>> -> memref<10240x128xf32, #tpu.memory_space<vmem_shared>>
          tpu.wait_indirect_dma semaphore(%run_scoped3A : memref<!tpu.dma_semaphore, #tpu.memory_space<semaphore_mem>>) src(%arg9 : memref<128x128xf32, #tpu.memory_space<vmem>>) dst(%dma_wait3A_108 : memref<10240x128xf32, #tpu.memory_space<vmem_shared>>)
          tpu.yield
        }) : () -> ()
        %add3A_78 = arith.constant 2 : i32
        %add3A_79 = arith.addi %add3A_63, %add3A_78 : i32
        %min3A = arith.constant 41 : i32
        %min3A_80 = arith.minsi %add3A_79, %min3A : i32
        %add3A_81 = arith.constant 1 : i32
        %add3A_82 = arith.addi %add3A_63, %add3A_81 : i32
        %dma_wait3A_83 = arith.constant 0 : i32
        %dma_wait3A_84 = tpu.memref_slice %arg7[%add3A_82, %dma_wait3A_83] : memref<42x128xi32, #tpu.memory_space<vmem>> -> memref<1x128xi32, #tpu.memory_space<vmem>>
        %dma_wait3A_85 = tpu.memref_squeeze %dma_wait3A_84 : memref<1x128xi32, #tpu.memory_space<vmem>> -> memref<128xi32, #tpu.memory_space<vmem>>
        %dma_wait3A_86 = arith.constant 0 : i32
        %dma_wait3A_87 = arith.constant 0 : i32
        %dma_wait3A_88 = tpu.memref_slice %arg2[%dma_wait3A_86, %dma_wait3A_87] : memref<20480x128xf32, #tpu.memory_space<hbm>> -> memref<20480x128xf32, #tpu.memory_space<hbm>>
        tpu.wait_indirect_dma semaphore(%arg13 : memref<!tpu.dma_semaphore, #tpu.memory_space<semaphore_mem>>) src(%dma_wait3A_88 : memref<20480x128xf32, #tpu.memory_space<hbm>>) dst(%arg10 : memref<128x128xf32, #tpu.memory_space<vmem>>)
        %dma_start3A_89 = arith.constant 0 : i32
        %dma_start3A_90 = tpu.memref_slice %arg7[%min3A_80, %dma_start3A_89] : memref<42x128xi32, #tpu.memory_space<vmem>> -> memref<1x128xi32, #tpu.memory_space<vmem>>
        %dma_start3A_91 = tpu.memref_squeeze %dma_start3A_90 : memref<1x128xi32, #tpu.memory_space<vmem>> -> memref<128xi32, #tpu.memory_space<vmem>>
        %dma_start3A_92 = arith.constant 0 : i32
        %dma_start3A_93 = arith.constant 0 : i32
        %dma_start3A_94 = tpu.memref_slice %arg2[%dma_start3A_92, %dma_start3A_93] : memref<20480x128xf32, #tpu.memory_space<hbm>> -> memref<20480x128xf32, #tpu.memory_space<hbm>>
        tpu.enqueue_indirect_dma source(%dma_start3A_94 : memref<20480x128xf32, #tpu.memory_space<hbm>>) target(%arg9 : memref<128x128xf32, #tpu.memory_space<vmem>>) offsets(%dma_start3A_91 : memref<128xi32, #tpu.memory_space<vmem>>) semaphore(%arg12 : memref<!tpu.dma_semaphore, #tpu.memory_space<semaphore_mem>>)
        %add3A_95 = arith.constant 1 : i32
        %add3A_96 = arith.addi %add3A_63, %add3A_95 : i32
        "tpu.region"() ({
          %run_scoped3A = tpu.sem_alloc : memref<!tpu.dma_semaphore, #tpu.memory_space<semaphore_mem>>
          %dma_start3A_97 = arith.constant 0 : i32
          %dma_start3A_98 = tpu.memref_slice %arg8[%add3A_96, %dma_start3A_97] : memref<42x128xi32, #tpu.memory_space<vmem>> -> memref<1x128xi32, #tpu.memory_space<vmem>>
          %dma_start3A_99 = tpu.memref_squeeze %dma_start3A_98 : memref<1x128xi32, #tpu.memory_space<vmem>> -> memref<128xi32, #tpu.memory_space<vmem>>
          %dma_start3A_100 = arith.constant 0 : i32
          %dma_start3A_101 = arith.constant 0 : i32
          %dma_start3A_102 = tpu.memref_slice %arg11[%dma_start3A_100, %dma_start3A_101] : memref<10240x128xf32, #tpu.memory_space<vmem_shared>> -> memref<10240x128xf32, #tpu.memory_space<vmem_shared>>
          tpu.enqueue_indirect_dma source(%arg10 : memref<128x128xf32, #tpu.memory_space<vmem>>) target(%dma_start3A_102 : memref<10240x128xf32, #tpu.memory_space<vmem_shared>>) offsets(%dma_start3A_99 : memref<128xi32, #tpu.memory_space<vmem>>) semaphore(%run_scoped3A : memref<!tpu.dma_semaphore, #tpu.memory_space<semaphore_mem>>) {add = true}
          %dma_wait3A_103 = arith.constant 0 : i32
          %dma_wait3A_104 = tpu.memref_slice %arg8[%add3A_96, %dma_wait3A_103] : memref<42x128xi32, #tpu.memory_space<vmem>> -> memref<1x128xi32, #tpu.memory_space<vmem>>
          %dma_wait3A_105 = tpu.memref_squeeze %dma_wait3A_104 : memref<1x128xi32, #tpu.memory_space<vmem>> -> memref<128xi32, #tpu.memory_space<vmem>>
          %dma_wait3A_106 = arith.constant 0 : i32
          %dma_wait3A_107 = arith.constant 0 : i32
          %dma_wait3A_108 = tpu.memref_slice %arg11[%dma_wait3A_106, %dma_wait3A_107] : memref<10240x128xf32, #tpu.memory_space<vmem_shared>> -> memref<10240x128xf32, #tpu.memory_space<vmem_shared>>
          tpu.wait_indirect_dma semaphore(%run_scoped3A : memref<!tpu.dma_semaphore, #tpu.memory_space<semaphore_mem>>) src(%arg10 : memref<128x128xf32, #tpu.memory_space<vmem>>) dst(%dma_wait3A_108 : memref<10240x128xf32, #tpu.memory_space<vmem_shared>>)
          tpu.yield
        }) : () -> ()
      }
      %scan3A_51 = arith.constant 21 : i32
      %dma_wait3A_52 = arith.constant 41 : i32
      %dma_wait3A_53 = arith.constant 0 : i32
      %dma_wait3A_54 = tpu.memref_slice %arg7[%dma_wait3A_52, %dma_wait3A_53] : memref<42x128xi32, #tpu.memory_space<vmem>> -> memref<1x128xi32, #tpu.memory_space<vmem>>
      %dma_wait3A_55 = tpu.memref_squeeze %dma_wait3A_54 : memref<1x128xi32, #tpu.memory_space<vmem>> -> memref<128xi32, #tpu.memory_space<vmem>>
      %dma_wait3A_56 = arith.constant 0 : i32
      %dma_wait3A_57 = arith.constant 0 : i32
      %dma_wait3A_58 = tpu.memref_slice %arg2[%dma_wait3A_56, %dma_wait3A_57] : memref<20480x128xf32, #tpu.memory_space<hbm>> -> memref<20480x128xf32, #tpu.memory_space<hbm>>
      tpu.wait_indirect_dma semaphore(%arg12 : memref<!tpu.dma_semaphore, #tpu.memory_space<semaphore_mem>>) src(%dma_wait3A_58 : memref<20480x128xf32, #tpu.memory_space<hbm>>) dst(%arg9 : memref<128x128xf32, #tpu.memory_space<vmem>>)
    }
    %scan3A_4 = arith.constant 2 : i32
    %barrier3A_5 = arith.constant 0 : index
    tpu.barrier barrier_id(%barrier3A_5)
    "tpu.region"() ({
      %run_scoped3A = tpu.sem_alloc : memref<!tpu.dma_semaphore, #tpu.memory_space<semaphore_mem>>
      %dma_start3A = arith.constant 0 : i32
      %dma_start3A_6 = tpu.memref_slice %arg6[%arg0, %mul3A_0, %dma_start3A] : memref<2x10240x128xf32, #tpu.memory_space<hbm>> -> memref<1x640x128xf32, #tpu.memory_space<hbm>>
      %dma_start3A_7 = tpu.memref_squeeze %dma_start3A_6 : memref<1x640x128xf32, #tpu.memory_space<hbm>> -> memref<640x128xf32, #tpu.memory_space<hbm>>
      %dma_start3A_8 = arith.constant 0 : i32
      %dma_start3A_9 = tpu.memref_slice %arg11[%mul3A_0, %dma_start3A_8] : memref<10240x128xf32, #tpu.memory_space<vmem_shared>> -> memref<640x128xf32, #tpu.memory_space<vmem_shared>>
      tpu.enqueue_dma source(%dma_start3A_9 : memref<640x128xf32, #tpu.memory_space<vmem_shared>>) target(%dma_start3A_7 : memref<640x128xf32, #tpu.memory_space<hbm>>) target_semaphore(%run_scoped3A : memref<!tpu.dma_semaphore, #tpu.memory_space<semaphore_mem>>)
      %dma_wait3A = arith.constant 0 : i32
      %dma_wait3A_10 = tpu.memref_slice %arg6[%arg0, %mul3A_0, %dma_wait3A] : memref<2x10240x128xf32, #tpu.memory_space<hbm>> -> memref<1x640x128xf32, #tpu.memory_space<hbm>>
      %dma_wait3A_11 = tpu.memref_squeeze %dma_wait3A_10 : memref<1x640x128xf32, #tpu.memory_space<hbm>> -> memref<640x128xf32, #tpu.memory_space<hbm>>
      %dma_wait3A_12 = arith.constant 0 : i32
      %dma_wait3A_13 = tpu.memref_slice %arg11[%mul3A_0, %dma_wait3A_12] : memref<10240x128xf32, #tpu.memory_space<vmem_shared>> -> memref<640x128xf32, #tpu.memory_space<vmem_shared>>
      tpu.wait_dma2 semaphore(%run_scoped3A : memref<!tpu.dma_semaphore, #tpu.memory_space<semaphore_mem>>) src(%dma_wait3A_13 : memref<640x128xf32, #tpu.memory_space<vmem_shared>>) dst(%dma_wait3A_11 : memref<640x128xf32, #tpu.memory_space<hbm>>)
      tpu.yield
    }) : () -> ()
    return
  }
}

module attributes {stable_mosaic.version = 14 : i64} {
  func.func @_tc_layer_body(%arg0: i32, %arg1: memref<2x256x128xf32, #tpu.memory_space<vmem>>, %arg2: memref<2x256x128xf32, #tpu.memory_space<vmem>>, %arg3: memref<1x256xf32, #tpu.memory_space<vmem>>, %arg4: memref<256x256xf32, #tpu.memory_space<vmem>>, %arg5: memref<2x256x128xf32, #tpu.memory_space<vmem>>) attributes {dimension_semantics = [#tpu.dimension_semantics<arbitrary>], iteration_bounds = array<i64: 40>, scalar_prefetch = 0 : i64, scratch_operands = 0 : i64, tpu.core_type = #tpu.core_type<tc>, window_params = [{transform_indices = @transform_0, window_bounds = array<i64: 2, 256, 128>}, {transform_indices = @transform_1, window_bounds = array<i64: 2, 256, 128>}, {pipeline_mode = #tpu.pipeline_mode<synchronous>, transform_indices = @transform_2, window_bounds = array<i64: 1, 256>}, {pipeline_mode = #tpu.pipeline_mode<synchronous>, transform_indices = @transform_3, window_bounds = array<i64: 256, 256>}, {transform_indices = @transform_4, window_bounds = array<i64: 2, 256, 128>}]} {
    %get3A = arith.constant 0 : index
    %get3A_0 = arith.constant 0 : index
    %get3A_1 = arith.constant 0 : index
    %get3A_2 = vector.load %arg2[%get3A, %get3A_0, %get3A_1] : memref<2x256x128xf32, #tpu.memory_space<vmem>>, vector<1x256x128xf32>
    %get3A_3 = vector.shape_cast %get3A_2 : vector<1x256x128xf32> to vector<256x128xf32>
    %get3A_4 = arith.constant 1 : index
    %get3A_5 = arith.constant 0 : index
    %get3A_6 = arith.constant 0 : index
    %get3A_7 = vector.load %arg2[%get3A_4, %get3A_5, %get3A_6] : memref<2x256x128xf32, #tpu.memory_space<vmem>>, vector<1x256x128xf32>
    %get3A_8 = vector.shape_cast %get3A_7 : vector<1x256x128xf32> to vector<256x128xf32>
    %add3A = arith.addf %get3A_3, %get3A_8 : vector<256x128xf32>
    %gt3A = arith.constant 0.000000e+00 : f32
    %gt3A_9 = vector.broadcast %gt3A : f32 to vector<256x128xf32>
    %gt3A_10 = arith.cmpf ogt, %add3A, %gt3A_9 : vector<256x128xf32>
    %rsqrt3A = math.rsqrt %add3A : vector<256x128xf32>
    %jit3A = arith.constant 0.000000e+00 : f32
    %broadcast_in_dim3A = vector.broadcast %jit3A : f32 to vector<256x128xf32>
    %select_n3A = arith.select %gt3A_10, %rsqrt3A, %broadcast_in_dim3A : vector<256x128xi1>, vector<256x128xf32>
    %get3A_11 = arith.constant 0 : index
    %get3A_12 = arith.constant 0 : index
    %get3A_13 = vector.load %arg3[%get3A_11, %get3A_12] : memref<1x256xf32, #tpu.memory_space<vmem>>, vector<1x256xf32>
    %get3A_14 = arith.constant 0 : index
    %get3A_15 = arith.constant 0 : index
    %get3A_16 = arith.constant 0 : index
    %get3A_17 = vector.load %arg1[%get3A_14, %get3A_15, %get3A_16] : memref<2x256x128xf32, #tpu.memory_space<vmem>>, vector<1x256x128xf32>
    %get3A_18 = vector.shape_cast %get3A_17 : vector<1x256x128xf32> to vector<256x128xf32>
    %mul3A = arith.mulf %get3A_18, %select_n3A : vector<256x128xf32>
    %slice3A = vector.extract_strided_slice %get3A_13 {offsets = [0, 0], sizes = [1, 128], strides = [1, 1]} : vector<1x256xf32> to vector<1x128xf32>
    %add3A_19 = vector.broadcast %slice3A : vector<1x128xf32> to vector<256x128xf32>
    %add3A_20 = arith.addf %mul3A, %add3A_19 : vector<256x128xf32>
    %max3A = arith.constant 0.000000e+00 : f32
    %max3A_21 = vector.broadcast %max3A : f32 to vector<256x128xf32>
    %max3A_22 = arith.maximumf %add3A_20, %max3A_21 : vector<256x128xf32>
    %get3A_23 = arith.constant 1 : index
    %get3A_24 = arith.constant 0 : index
    %get3A_25 = arith.constant 0 : index
    %get3A_26 = vector.load %arg1[%get3A_23, %get3A_24, %get3A_25] : memref<2x256x128xf32, #tpu.memory_space<vmem>>, vector<1x256x128xf32>
    %get3A_27 = vector.shape_cast %get3A_26 : vector<1x256x128xf32> to vector<256x128xf32>
    %mul3A_28 = arith.mulf %get3A_27, %select_n3A : vector<256x128xf32>
    %slice3A_29 = vector.extract_strided_slice %get3A_13 {offsets = [0, 128], sizes = [1, 128], strides = [1, 1]} : vector<1x256xf32> to vector<1x128xf32>
    %add3A_30 = vector.broadcast %slice3A_29 : vector<1x128xf32> to vector<256x128xf32>
    %add3A_31 = arith.addf %mul3A_28, %add3A_30 : vector<256x128xf32>
    %max3A_32 = arith.constant 0.000000e+00 : f32
    %max3A_33 = vector.broadcast %max3A_32 : f32 to vector<256x128xf32>
    %max3A_34 = arith.maximumf %add3A_31, %max3A_33 : vector<256x128xf32>
    %get3A_35 = arith.constant 0 : index
    %get3A_36 = arith.constant 0 : index
    %get3A_37 = vector.load %arg4[%get3A_35, %get3A_36] : memref<256x256xf32, #tpu.memory_space<vmem>>, vector<256x256xf32>
    %slice3A_38 = vector.extract_strided_slice %get3A_37 {offsets = [0, 0], sizes = [128, 256], strides = [1, 1]} : vector<256x256xf32> to vector<128x256xf32>
    %dot_general3A = arith.constant dense<0.000000e+00> : vector<256x256xf32>
    %dot_general3A_39 = tpu.matmul %max3A_22, %slice3A_38, %dot_general3A {dimension_numbers = #tpu.dot_dimension_numbers<[1], [0], [0], [1], [0, 0, 1, 1], [], []>, transpose_lhs_hint = false} : vector<256x128xf32>, vector<128x256xf32>, vector<256x256xf32> -> vector<256x256xf32>
    %slice3A_40 = vector.extract_strided_slice %get3A_37 {offsets = [128, 0], sizes = [128, 256], strides = [1, 1]} : vector<256x256xf32> to vector<128x256xf32>
    %dot_general3A_41 = arith.constant dense<0.000000e+00> : vector<256x256xf32>
    %dot_general3A_42 = tpu.matmul %max3A_34, %slice3A_40, %dot_general3A_41 {dimension_numbers = #tpu.dot_dimension_numbers<[1], [0], [0], [1], [0, 0, 1, 1], [], []>, transpose_lhs_hint = false} : vector<256x128xf32>, vector<128x256xf32>, vector<256x256xf32> -> vector<256x256xf32>
    %add3A_43 = arith.addf %dot_general3A_39, %dot_general3A_42 : vector<256x256xf32>
    %slice3A_44 = vector.extract_strided_slice %add3A_43 {offsets = [0, 0], sizes = [256, 128], strides = [1, 1]} : vector<256x256xf32> to vector<256x128xf32>
    %mul3A_45 = arith.mulf %slice3A_44, %select_n3A : vector<256x128xf32>
    %swap3A = arith.constant 0 : index
    %swap3A_46 = arith.constant 0 : index
    %swap3A_47 = arith.constant 0 : index
    %swap3A_48 = vector.load %arg5[%swap3A, %swap3A_46, %swap3A_47] : memref<2x256x128xf32, #tpu.memory_space<vmem>>, vector<1x256x128xf32>
    %swap3A_49 = vector.shape_cast %swap3A_48 : vector<1x256x128xf32> to vector<256x128xf32>
    %swap3A_50 = vector.shape_cast %mul3A_45 : vector<256x128xf32> to vector<1x256x128xf32>
    tpu.vector_store %arg5[%swap3A, %swap3A_46, %swap3A_47], %swap3A_50 {strides = array<i32>} : memref<2x256x128xf32, #tpu.memory_space<vmem>>, vector<1x256x128xf32>,
    %slice3A_51 = vector.extract_strided_slice %add3A_43 {offsets = [0, 128], sizes = [256, 128], strides = [1, 1]} : vector<256x256xf32> to vector<256x128xf32>
    %mul3A_52 = arith.mulf %slice3A_51, %select_n3A : vector<256x128xf32>
    %swap3A_53 = arith.constant 1 : index
    %swap3A_54 = arith.constant 0 : index
    %swap3A_55 = arith.constant 0 : index
    %swap3A_56 = vector.load %arg5[%swap3A_53, %swap3A_54, %swap3A_55] : memref<2x256x128xf32, #tpu.memory_space<vmem>>, vector<1x256x128xf32>
    %swap3A_57 = vector.shape_cast %swap3A_56 : vector<1x256x128xf32> to vector<256x128xf32>
    %swap3A_58 = vector.shape_cast %mul3A_52 : vector<256x128xf32> to vector<1x256x128xf32>
    tpu.vector_store %arg5[%swap3A_53, %swap3A_54, %swap3A_55], %swap3A_58 {strides = array<i32>} : memref<2x256x128xf32, #tpu.memory_space<vmem>>, vector<1x256x128xf32>,
    return
  }
  func.func @transform_0(%arg0: i32) -> (i32, i32, i32) {
    %c0_i32 = arith.constant 0 : i32
    %c0_i32_0 = arith.constant 0 : i32
    %c0_i32_1 = arith.constant 0 : i32
    return %c0_i32, %arg0, %c0_i32_0 : i32, i32, i32
  }
  func.func @transform_1(%arg0: i32) -> (i32, i32, i32) {
    %c0_i32 = arith.constant 0 : i32
    %c0_i32_0 = arith.constant 0 : i32
    %c0_i32_1 = arith.constant 0 : i32
    return %c0_i32, %arg0, %c0_i32_0 : i32, i32, i32
  }
  func.func @transform_2(%arg0: i32) -> (i32, i32) {
    %c0_i32 = arith.constant 0 : i32
    %c0_i32_0 = arith.constant 0 : i32
    %c0_i32_1 = arith.constant 0 : i32
    return %c0_i32, %c0_i32_0 : i32, i32
  }
  func.func @transform_3(%arg0: i32) -> (i32, i32) {
    %c0_i32 = arith.constant 0 : i32
    %c0_i32_0 = arith.constant 0 : i32
    %c0_i32_1 = arith.constant 0 : i32
    return %c0_i32, %c0_i32_0 : i32, i32
  }
  func.func @transform_4(%arg0: i32) -> (i32, i32, i32) {
    %c0_i32 = arith.constant 0 : i32
    %c0_i32_0 = arith.constant 0 : i32
    %c0_i32_1 = arith.constant 0 : i32
    return %c0_i32, %arg0, %c0_i32_0 : i32, i32, i32
  }
}

module attributes {stable_mosaic.version = 14 : i64} {
  func.func @_tc_layer1_body(%arg0: i32, %arg1: memref<256x256xf32, #tpu.memory_space<vmem>>, %arg2: memref<256x256xf32, #tpu.memory_space<vmem>>, %arg3: memref<2x256x128xf32, #tpu.memory_space<vmem>>, %arg4: memref<2x256x128xf32, #tpu.memory_space<vmem>>) attributes {dimension_semantics = [#tpu.dimension_semantics<arbitrary>], iteration_bounds = array<i64: 40>, scalar_prefetch = 0 : i64, scratch_operands = 0 : i64, tpu.core_type = #tpu.core_type<tc>, window_params = [{transform_indices = @transform_0, window_bounds = array<i64: 256, 256>}, {pipeline_mode = #tpu.pipeline_mode<synchronous>, transform_indices = @transform_1, window_bounds = array<i64: 256, 256>}, {transform_indices = @transform_2, window_bounds = array<i64: 2, 256, 128>}, {transform_indices = @transform_3, window_bounds = array<i64: 2, 256, 128>}]} {
    %get3A = arith.constant 0 : index
    %get3A_0 = arith.constant 0 : index
    %get3A_1 = arith.constant 0 : index
    %get3A_2 = vector.load %arg3[%get3A, %get3A_0, %get3A_1] : memref<2x256x128xf32, #tpu.memory_space<vmem>>, vector<1x256x128xf32>
    %get3A_3 = vector.shape_cast %get3A_2 : vector<1x256x128xf32> to vector<256x128xf32>
    %get3A_4 = arith.constant 1 : index
    %get3A_5 = arith.constant 0 : index
    %get3A_6 = arith.constant 0 : index
    %get3A_7 = vector.load %arg3[%get3A_4, %get3A_5, %get3A_6] : memref<2x256x128xf32, #tpu.memory_space<vmem>>, vector<1x256x128xf32>
    %get3A_8 = vector.shape_cast %get3A_7 : vector<1x256x128xf32> to vector<256x128xf32>
    %add3A = arith.addf %get3A_3, %get3A_8 : vector<256x128xf32>
    %gt3A = arith.constant 0.000000e+00 : f32
    %gt3A_9 = vector.broadcast %gt3A : f32 to vector<256x128xf32>
    %gt3A_10 = arith.cmpf ogt, %add3A, %gt3A_9 : vector<256x128xf32>
    %rsqrt3A = math.rsqrt %add3A : vector<256x128xf32>
    %jit3A = arith.constant 0.000000e+00 : f32
    %broadcast_in_dim3A = vector.broadcast %jit3A : f32 to vector<256x128xf32>
    %select_n3A = arith.select %gt3A_10, %rsqrt3A, %broadcast_in_dim3A : vector<256x128xi1>, vector<256x128xf32>
    %get3A_11 = arith.constant 0 : index
    %get3A_12 = arith.constant 0 : index
    %get3A_13 = vector.load %arg1[%get3A_11, %get3A_12] : memref<256x256xf32, #tpu.memory_space<vmem>>, vector<256x256xf32>
    %get3A_14 = arith.constant 0 : index
    %get3A_15 = arith.constant 0 : index
    %get3A_16 = vector.load %arg2[%get3A_14, %get3A_15] : memref<256x256xf32, #tpu.memory_space<vmem>>, vector<256x256xf32>
    %dot_general3A = arith.constant dense<0.000000e+00> : vector<256x256xf32>
    %dot_general3A_17 = tpu.matmul %get3A_13, %get3A_16, %dot_general3A {dimension_numbers = #tpu.dot_dimension_numbers<[1], [0], [0], [1], [0, 0, 1, 1], [], []>, transpose_lhs_hint = false} : vector<256x256xf32>, vector<256x256xf32>, vector<256x256xf32> -> vector<256x256xf32>
    %slice3A = vector.extract_strided_slice %dot_general3A_17 {offsets = [0, 0], sizes = [256, 128], strides = [1, 1]} : vector<256x256xf32> to vector<256x128xf32>
    %mul3A = arith.mulf %slice3A, %select_n3A : vector<256x128xf32>
    %swap3A = arith.constant 0 : index
    %swap3A_18 = arith.constant 0 : index
    %swap3A_19 = arith.constant 0 : index
    %swap3A_20 = vector.load %arg4[%swap3A, %swap3A_18, %swap3A_19] : memref<2x256x128xf32, #tpu.memory_space<vmem>>, vector<1x256x128xf32>
    %swap3A_21 = vector.shape_cast %swap3A_20 : vector<1x256x128xf32> to vector<256x128xf32>
    %swap3A_22 = vector.shape_cast %mul3A : vector<256x128xf32> to vector<1x256x128xf32>
    tpu.vector_store %arg4[%swap3A, %swap3A_18, %swap3A_19], %swap3A_22 {strides = array<i32>} : memref<2x256x128xf32, #tpu.memory_space<vmem>>, vector<1x256x128xf32>,
    %slice3A_23 = vector.extract_strided_slice %dot_general3A_17 {offsets = [0, 128], sizes = [256, 128], strides = [1, 1]} : vector<256x256xf32> to vector<256x128xf32>
    %mul3A_24 = arith.mulf %slice3A_23, %select_n3A : vector<256x128xf32>
    %swap3A_25 = arith.constant 1 : index
    %swap3A_26 = arith.constant 0 : index
    %swap3A_27 = arith.constant 0 : index
    %swap3A_28 = vector.load %arg4[%swap3A_25, %swap3A_26, %swap3A_27] : memref<2x256x128xf32, #tpu.memory_space<vmem>>, vector<1x256x128xf32>
    %swap3A_29 = vector.shape_cast %swap3A_28 : vector<1x256x128xf32> to vector<256x128xf32>
    %swap3A_30 = vector.shape_cast %mul3A_24 : vector<256x128xf32> to vector<1x256x128xf32>
    tpu.vector_store %arg4[%swap3A_25, %swap3A_26, %swap3A_27], %swap3A_30 {strides = array<i32>} : memref<2x256x128xf32, #tpu.memory_space<vmem>>, vector<1x256x128xf32>,
    return
  }
  func.func @transform_0(%arg0: i32) -> (i32, i32) {
    %c0_i32 = arith.constant 0 : i32
    %c0_i32_0 = arith.constant 0 : i32
    return %arg0, %c0_i32 : i32, i32
  }
  func.func @transform_1(%arg0: i32) -> (i32, i32) {
    %c0_i32 = arith.constant 0 : i32
    %c0_i32_0 = arith.constant 0 : i32
    %c0_i32_1 = arith.constant 0 : i32
    return %c0_i32, %c0_i32_0 : i32, i32
  }
  func.func @transform_2(%arg0: i32) -> (i32, i32, i32) {
    %c0_i32 = arith.constant 0 : i32
    %c0_i32_0 = arith.constant 0 : i32
    %c0_i32_1 = arith.constant 0 : i32
    return %c0_i32, %arg0, %c0_i32_0 : i32, i32, i32
  }
  func.func @transform_3(%arg0: i32) -> (i32, i32, i32) {
    %c0_i32 = arith.constant 0 : i32
    %c0_i32_0 = arith.constant 0 : i32
    %c0_i32_1 = arith.constant 0 : i32
    return %c0_i32, %arg0, %c0_i32_0 : i32, i32, i32
  }
}

module attributes {stable_mosaic.version = 14 : i64} {
  func.func @_tc_final_body(%arg0: i32, %arg1: memref<2x256x128xf32, #tpu.memory_space<vmem>>, %arg2: memref<2x256x128xf32, #tpu.memory_space<vmem>>, %arg3: memref<1x256xf32, #tpu.memory_space<vmem>>, %arg4: memref<256x128xf32, #tpu.memory_space<vmem>>, %arg5: memref<1x128xf32, #tpu.memory_space<vmem>>, %arg6: memref<256x128xf32, #tpu.memory_space<vmem>>) attributes {dimension_semantics = [#tpu.dimension_semantics<arbitrary>], iteration_bounds = array<i64: 40>, scalar_prefetch = 0 : i64, scratch_operands = 0 : i64, tpu.core_type = #tpu.core_type<tc>, window_params = [{transform_indices = @transform_0, window_bounds = array<i64: 2, 256, 128>}, {transform_indices = @transform_1, window_bounds = array<i64: 2, 256, 128>}, {pipeline_mode = #tpu.pipeline_mode<synchronous>, transform_indices = @transform_2, window_bounds = array<i64: 1, 256>}, {pipeline_mode = #tpu.pipeline_mode<synchronous>, transform_indices = @transform_3, window_bounds = array<i64: 256, 128>}, {pipeline_mode = #tpu.pipeline_mode<synchronous>, transform_indices = @transform_4, window_bounds = array<i64: 1, 128>}, {transform_indices = @transform_5, window_bounds = array<i64: 256, 128>}]} {
    %get3A = arith.constant 0 : index
    %get3A_0 = arith.constant 0 : index
    %get3A_1 = arith.constant 0 : index
    %get3A_2 = vector.load %arg2[%get3A, %get3A_0, %get3A_1] : memref<2x256x128xf32, #tpu.memory_space<vmem>>, vector<1x256x128xf32>
    %get3A_3 = vector.shape_cast %get3A_2 : vector<1x256x128xf32> to vector<256x128xf32>
    %get3A_4 = arith.constant 1 : index
    %get3A_5 = arith.constant 0 : index
    %get3A_6 = arith.constant 0 : index
    %get3A_7 = vector.load %arg2[%get3A_4, %get3A_5, %get3A_6] : memref<2x256x128xf32, #tpu.memory_space<vmem>>, vector<1x256x128xf32>
    %get3A_8 = vector.shape_cast %get3A_7 : vector<1x256x128xf32> to vector<256x128xf32>
    %add3A = arith.addf %get3A_3, %get3A_8 : vector<256x128xf32>
    %gt3A = arith.constant 0.000000e+00 : f32
    %gt3A_9 = vector.broadcast %gt3A : f32 to vector<256x128xf32>
    %gt3A_10 = arith.cmpf ogt, %add3A, %gt3A_9 : vector<256x128xf32>
    %rsqrt3A = math.rsqrt %add3A : vector<256x128xf32>
    %jit3A = arith.constant 0.000000e+00 : f32
    %broadcast_in_dim3A = vector.broadcast %jit3A : f32 to vector<256x128xf32>
    %select_n3A = arith.select %gt3A_10, %rsqrt3A, %broadcast_in_dim3A : vector<256x128xi1>, vector<256x128xf32>
    %get3A_11 = arith.constant 0 : index
    %get3A_12 = arith.constant 0 : index
    %get3A_13 = vector.load %arg3[%get3A_11, %get3A_12] : memref<1x256xf32, #tpu.memory_space<vmem>>, vector<1x256xf32>
    %get3A_14 = arith.constant 0 : index
    %get3A_15 = arith.constant 0 : index
    %get3A_16 = arith.constant 0 : index
    %get3A_17 = vector.load %arg1[%get3A_14, %get3A_15, %get3A_16] : memref<2x256x128xf32, #tpu.memory_space<vmem>>, vector<1x256x128xf32>
    %get3A_18 = vector.shape_cast %get3A_17 : vector<1x256x128xf32> to vector<256x128xf32>
    %mul3A = arith.mulf %get3A_18, %select_n3A : vector<256x128xf32>
    %slice3A = vector.extract_strided_slice %get3A_13 {offsets = [0, 0], sizes = [1, 128], strides = [1, 1]} : vector<1x256xf32> to vector<1x128xf32>
    %add3A_19 = vector.broadcast %slice3A : vector<1x128xf32> to vector<256x128xf32>
    %add3A_20 = arith.addf %mul3A, %add3A_19 : vector<256x128xf32>
    %max3A = arith.constant 0.000000e+00 : f32
    %max3A_21 = vector.broadcast %max3A : f32 to vector<256x128xf32>
    %max3A_22 = arith.maximumf %add3A_20, %max3A_21 : vector<256x128xf32>
    %get3A_23 = arith.constant 1 : index
    %get3A_24 = arith.constant 0 : index
    %get3A_25 = arith.constant 0 : index
    %get3A_26 = vector.load %arg1[%get3A_23, %get3A_24, %get3A_25] : memref<2x256x128xf32, #tpu.memory_space<vmem>>, vector<1x256x128xf32>
    %get3A_27 = vector.shape_cast %get3A_26 : vector<1x256x128xf32> to vector<256x128xf32>
    %mul3A_28 = arith.mulf %get3A_27, %select_n3A : vector<256x128xf32>
    %slice3A_29 = vector.extract_strided_slice %get3A_13 {offsets = [0, 128], sizes = [1, 128], strides = [1, 1]} : vector<1x256xf32> to vector<1x128xf32>
    %add3A_30 = vector.broadcast %slice3A_29 : vector<1x128xf32> to vector<256x128xf32>
    %add3A_31 = arith.addf %mul3A_28, %add3A_30 : vector<256x128xf32>
    %max3A_32 = arith.constant 0.000000e+00 : f32
    %max3A_33 = vector.broadcast %max3A_32 : f32 to vector<256x128xf32>
    %max3A_34 = arith.maximumf %add3A_31, %max3A_33 : vector<256x128xf32>
    %get3A_35 = arith.constant 0 : index
    %get3A_36 = arith.constant 0 : index
    %get3A_37 = vector.load %arg4[%get3A_35, %get3A_36] : memref<256x128xf32, #tpu.memory_space<vmem>>, vector<256x128xf32>
    %slice3A_38 = vector.extract_strided_slice %get3A_37 {offsets = [0, 0], sizes = [128, 128], strides = [1, 1]} : vector<256x128xf32> to vector<128x128xf32>
    %dot_general3A = arith.constant dense<0.000000e+00> : vector<256x128xf32>
    %dot_general3A_39 = tpu.matmul %max3A_22, %slice3A_38, %dot_general3A {dimension_numbers = #tpu.dot_dimension_numbers<[1], [0], [0], [1], [0, 0, 1, 1], [], []>, transpose_lhs_hint = false} : vector<256x128xf32>, vector<128x128xf32>, vector<256x128xf32> -> vector<256x128xf32>
    %slice3A_40 = vector.extract_strided_slice %get3A_37 {offsets = [128, 0], sizes = [128, 128], strides = [1, 1]} : vector<256x128xf32> to vector<128x128xf32>
    %dot_general3A_41 = arith.constant dense<0.000000e+00> : vector<256x128xf32>
    %dot_general3A_42 = tpu.matmul %max3A_34, %slice3A_40, %dot_general3A_41 {dimension_numbers = #tpu.dot_dimension_numbers<[1], [0], [0], [1], [0, 0, 1, 1], [], []>, transpose_lhs_hint = false} : vector<256x128xf32>, vector<128x128xf32>, vector<256x128xf32> -> vector<256x128xf32>
    %add3A_43 = arith.addf %dot_general3A_39, %dot_general3A_42 : vector<256x128xf32>
    %get3A_44 = arith.constant 0 : index
    %get3A_45 = arith.constant 0 : index
    %get3A_46 = vector.load %arg5[%get3A_44, %get3A_45] : memref<1x128xf32, #tpu.memory_space<vmem>>, vector<1x128xf32>
    %add3A_47 = vector.broadcast %get3A_46 : vector<1x128xf32> to vector<256x128xf32>
    %add3A_48 = arith.addf %add3A_43, %add3A_47 : vector<256x128xf32>
    %reduce_max3A = arith.constant dense<0xFF800000> : vector<256xf32>
    %reduce_max3A_49 = vector.multi_reduction <maximumf>, %add3A_48, %reduce_max3A [1] : vector<256x128xf32> to vector<256xf32>
    %broadcast_in_dim3A_50 = vector.shape_cast %reduce_max3A_49 : vector<256xf32> to vector<256x1xf32>
    %sub3A = vector.broadcast %broadcast_in_dim3A_50 : vector<256x1xf32> to vector<256x128xf32>
    %sub3A_51 = arith.subf %add3A_48, %sub3A : vector<256x128xf32>
    %exp3A = math.exp %sub3A_51 : vector<256x128xf32>
    %reduce_sum3A = arith.constant dense<0.000000e+00> : vector<256xf32>
    %reduce_sum3A_52 = vector.multi_reduction <add>, %exp3A, %reduce_sum3A [1] : vector<256x128xf32> to vector<256xf32>
    %broadcast_in_dim3A_53 = vector.shape_cast %reduce_sum3A_52 : vector<256xf32> to vector<256x1xf32>
    %div3A = vector.broadcast %broadcast_in_dim3A_53 : vector<256x1xf32> to vector<256x128xf32>
    %div3A_54 = arith.divf %exp3A, %div3A : vector<256x128xf32>
    %swap3A = arith.constant 0 : index
    %swap3A_55 = arith.constant 0 : index
    %swap3A_56 = vector.load %arg6[%swap3A, %swap3A_55] : memref<256x128xf32, #tpu.memory_space<vmem>>, vector<256x128xf32>
    tpu.vector_store %arg6[%swap3A, %swap3A_55], %div3A_54 {strides = array<i32>} : memref<256x128xf32, #tpu.memory_space<vmem>>, vector<256x128xf32>,
    return
  }
  func.func @transform_0(%arg0: i32) -> (i32, i32, i32) {
    %c0_i32 = arith.constant 0 : i32
    %c0_i32_0 = arith.constant 0 : i32
    %c0_i32_1 = arith.constant 0 : i32
    return %c0_i32, %arg0, %c0_i32_0 : i32, i32, i32
  }
  func.func @transform_1(%arg0: i32) -> (i32, i32, i32) {
    %c0_i32 = arith.constant 0 : i32
    %c0_i32_0 = arith.constant 0 : i32
    %c0_i32_1 = arith.constant 0 : i32
    return %c0_i32, %arg0, %c0_i32_0 : i32, i32, i32
  }
  func.func @transform_2(%arg0: i32) -> (i32, i32) {
    %c0_i32 = arith.constant 0 : i32
    %c0_i32_0 = arith.constant 0 : i32
    %c0_i32_1 = arith.constant 0 : i32
    return %c0_i32, %c0_i32_0 : i32, i32
  }
  func.func @transform_3(%arg0: i32) -> (i32, i32) {
    %c0_i32 = arith.constant 0 : i32
    %c0_i32_0 = arith.constant 0 : i32
    %c0_i32_1 = arith.constant 0 : i32
    return %c0_i32, %c0_i32_0 : i32, i32
  }
  func.func @transform_4(%arg0: i32) -> (i32, i32) {
    %c0_i32 = arith.constant 0 : i32
    %c0_i32_0 = arith.constant 0 : i32
    %c0_i32_1 = arith.constant 0 : i32
    return %c0_i32, %c0_i32_0 : i32, i32
  }
  func.func @transform_5(%arg0: i32) -> (i32, i32) {
    %c0_i32 = arith.constant 0 : i32
    %c0_i32_0 = arith.constant 0 : i32
    return %arg0, %c0_i32 : i32, i32
  }
}

</mosaic_0001>

<sc_bundles>
// kernel: kernel.10.cloned.1.call-start
scs
__scs_entry_jumppad:
0x0: {  	(pc) =	sbr.rel $0x88, $3  }
0x1: {  	(tag) =	ssettag $0x0;
	lr =	simm.s32 $0x1  }
0x2: {  	[smem:$0x3F97] =	sst lr;
	_ =	strace $0xD0000000  }
0x3: {  	_ = 	snop  }
0x4: {  	_ = 	snop  }
0x5: {  	_ = 	snop  }
0x6: {  	_ = 	snop  }
0x7: {  	_ = 	snop  }
__scs_overlays_trampoline_lowered:
0x8: {  	[smem:$0x3FA6] =	sst s0  }
0x9: {  	[smem:$0x3FA7] =	sst s1  }
0xa: {  	[smem:$0x3FA8] =	sst s2  }
0xb: {  	[smem:$0x3FA9] =	sst s3  }
0xc: {  	[smem:$0x3FAA] =	sst s4  }
0xd: {  	[smem:$0x3FAB] =	sst s5  }
0xe: {  	[smem:$0x3FAC] =	sst s6  }
0xf: {  	[smem:$0x3FAD] =	sst s7  }
0x10: {  	[smem:$0x3FAE] =	sst s8  }
0x11: {  	[smem:$0x3FAF] =	sst s9;
	s0 =	simm.s32 @!p0 $0x0  }
0x12: {  	s1 =	sld [smem:$0x3F95];
	s0 =	simm.s32 @p0 $0x1  }
0x13: {  	[smem:$0x3FB0] =	sst s0;
	s0 =	simm.s32 @!p1 $0x0  }
0x14: {  	s2 =	sld [smem:$0x3F94];
	s0 =	simm.s32 @p1 $0x1  }
0x15: {  	[smem:$0x3FB1] =	sst s0;
	s0 =	simm.s32 @!p2 $0x0  }
0x16: {  	s3 =	sld [smem:$0x3FDB];
	s0 =	simm.s32 @p2 $0x1  }
0x17: {  	s4 =	simm.s32 $0x1BF5;
	[smem:$0x3FB3] =	sst s0  }
0x18: {  	s0 =	sld [smem:$0x3F96];
	_ =	swait.ge [sflag:s4], $0x0  }
0x19: {  	s7 =	sld [smem:$0x3F97]  }
0x1a: {  	s8 =	sadd.s32 $0xFFFFE003, lr  }
0x1b: {  	s9 =	sadd.s32 $0xFFFFFEF7, lr;
	s5 =	simm.s32 $0xFFFFFFFF;
	p2 =	slt.u32 s8, $0xFFFFF086  }
0x1c: {  	p1 =	slt.u32 s9, $0xF7A;
	s5 =	simm.s32 @!p2 $0x0  }
0x1d: {  	s5 =	simm.s32 @p1 $0x1;
	p0 =	seq.s32 s7, s2  }
0x1e: {  	s7 =	smul.u32 @!p0 $0xF7A, s2;
	p2 =	seq.s32 @!p0 s5, $0x0  }
0x1f: {  	s9 =	smul.u32 $0xF7A, s1;
	s8 =	simm.s32 @!p0 $0x1BF5;
	p2 =	por !p2, p0  }
0x20: {  	[sflag:s8] =	ssyncset.s32 @!p0 $0xFFFFF086;
	s6 =	sadd.s32 @!p0 s3, s7;
	s7 =	simm.s32 @!p0 $0x108  }
0x21: {  	s3 =	sadd.s32 s3, s9;
	s6 =	sadd.s32 @!p0 $0x88, s6;
	s7 =	simm.s32 @p2 $0x1082  }
0x22: {  	[simem:s7], [sflag:s8] =	dma.local @!p0 [hbm:s6], $0xF7A  }
0x23: {  	s9 =	sor.u32 $0xD0000000, s2;
	s6 =	simm.s32 $0x108;
	_ =	swait.ge @!p0 [sflag:s8], $0x0  }
0x24: {  	s3 =	sadd.s32 $0x88, s3;
	s6 =	simm.s32 @!p1 $0x1082;
	[sflag:s4] =	ssyncset.s32 $0xFFFFF086  }
0x25: {  	[simem:s6], [sflag:s4] =	dma.local [hbm:s3], $0xF7A  }
0x26: {  	[smem:$0x3F97] =	sst s1;
	(tag) =	ssettag s2;
	_ =	strace s9  }
0x27: {  	s1 =	sld [smem:$0x3FA7]  }
0x28: {  	s2 =	sld [smem:$0x3FA8]  }
0x29: {  	s4 =	sld [smem:$0x3FAA]  }
0x2a: {  	p0 =	seq.s32 s5, $0x0;
	s5 =	sld [smem:$0x3FAB]  }
0x2b: {  	s6 =	sld [smem:$0x3FAC]  }
0x2c: {  	s7 =	sld [smem:$0x3FAD]  }
0x2d: {  	s3 =	simm.s32 $0x108;
	s8 =	sld [smem:$0x3FAE]  }
0x2e: {  	s3 =	simm.s32 @!p0 $0x1082;
	s9 =	sld [smem:$0x3FAF]  }
0x2f: {  	lr =	sadd.s32 s0, s3;
	s0 =	sld [smem:$0x3FA6]  }
0x30: {  	s3 =	sld [smem:$0x3FA9]  }
0x31: {  	[smem:$0x3FB2] =	sst s10  }
0x32: {  	s10 =	sld [smem:$0x3FB0];
	_ =	sdelay $0x3  }
0x33: {  	p0 =	seq.s32 s10, $0x1;
	s10 =	sld [smem:$0x3FB2];
	_ =	sdelay $0x3  }
0x34: {  	[smem:$0x3FB2] =	sst s10  }
0x35: {  	s10 =	sld [smem:$0x3FB1];
	_ =	sdelay $0x3  }
0x36: {  	p1 =	seq.s32 s10, $0x1;
	s10 =	sld [smem:$0x3FB2];
	_ =	sdelay $0x3  }
0x37: {  	[smem:$0x3FB2] =	sst s10  }
0x38: {  	s10 =	sld [smem:$0x3FB3]  }
0x39: {  	_ = 	snop;
	(pc) =	sbr.ind lr, $3  }
0x3a: {  	_ = 	snop  }
0x3b: {  	_ = 	snop  }
0x3c: {  	p2 =	seq.s32 s10, $0x1;
	s10 =	sld [smem:$0x3FB2]  }
0x3d: {  	_ =	shalt  }
0x3e: {  	_ =	shalt  }
0x3f: {  	_ =	shalt  }
0x40: {  	_ =	shalt  }
0x41: {  	_ =	shalt  }
0x42: {  	_ =	shalt  }
0x43: {  	_ =	shalt  }
0x44: {  	_ =	shalt  }
0x45: {  	_ =	shalt  }
0x46: {  	_ =	shalt  }
0x47: {  	_ =	shalt  }
0x48: {  	_ =	shalt  }
0x49: {  	_ =	shalt  }
0x4a: {  	_ =	shalt  }
0x4b: {  	_ =	shalt  }
0x4c: {  	_ =	shalt  }
0x4d: {  	_ =	shalt  }
0x4e: {  	_ =	shalt  }
0x4f: {  	_ =	shalt  }
0x50: {  	_ =	shalt  }
0x51: {  	_ =	shalt  }
0x52: {  	_ =	shalt  }
0x53: {  	_ =	shalt  }
0x54: {  	_ =	shalt  }
0x55: {  	_ =	shalt  }
0x56: {  	_ =	shalt  }
0x57: {  	_ =	shalt  }
0x58: {  	_ =	shalt  }
0x59: {  	_ =	shalt  }
0x5a: {  	_ =	shalt  }
0x5b: {  	_ =	shalt  }
0x5c: {  	_ =	shalt  }
0x5d: {  	_ =	shalt  }
0x5e: {  	_ =	shalt  }
0x5f: {  	_ =	shalt  }
0x60: {  	_ =	shalt  }
0x61: {  	_ =	shalt  }
0x62: {  	_ =	shalt  }
0x63: {  	_ =	shalt  }
0x64: {  	_ =	shalt  }
0x65: {  	_ =	shalt  }
0x66: {  	_ =	shalt  }
0x67: {  	_ =	shalt  }
0x68: {  	_ =	shalt  }
0x69: {  	_ =	shalt  }
0x6a: {  	_ =	shalt  }
0x6b: {  	_ =	shalt  }
0x6c: {  	_ =	shalt  }
0x6d: {  	_ =	shalt  }
0x6e: {  	_ =	shalt  }
0x6f: {  	_ =	shalt  }
0x70: {  	_ =	shalt  }
0x71: {  	_ =	shalt  }
0x72: {  	_ =	shalt  }
0x73: {  	_ =	shalt  }
0x74: {  	_ =	shalt  }
0x75: {  	_ =	shalt  }
0x76: {  	_ =	shalt  }
0x77: {  	_ =	shalt  }
0x78: {  	_ =	shalt  }
0x79: {  	_ =	shalt  }
0x7a: {  	_ =	shalt  }
0x7b: {  	_ =	shalt  }
0x7c: {  	_ =	shalt  }
0x7d: {  	_ =	shalt  }
0x7e: {  	_ =	shalt  }
0x7f: {  	_ =	shalt  }
0x80: {  	_ =	shalt  }
0x81: {  	_ =	shalt  }
0x82: {  	_ =	shalt  }
0x83: {  	_ =	shalt  }
0x84: {  	_ =	shalt  }
0x85: {  	_ =	shalt  }
0x86: {  	_ =	shalt  }
0x87: {  	_ =	shalt  }
.Lfunc_end0:
.L_simem_size_0:
called_computation_lowered:
.L_overlay_start_0:
0x88: {  	s2 =	sld [smem:$0x3FD9]  }
0x89: {  	s3 =	sld [smem:$0x3FFE];
	_ =	sdelay $0x1  }
0x8a: {  	s1 =	srdreg.scid  }
0x8b: {  	s0 =	sand.u32 $0x1, s1  }
0x8c: {  	s16 =	sshll.u32 s0, $0xA;
	s2 =	sadd.s32 s3, s2  }
0x8d: {  	s2 =	sadd.s32 s2, s16  }
0x8e: {  	[smem:$0x3FBE] =	sst s2  }
0x8f: {  	_ = 	snop  }
0x90: {  	(tm) =	ssettm $0x1  }
0x91: {  	s17 =	sld [smem:$0x3FFB];
	_ =	sdelay $0x3  }
0x92: {  	_ =	strace s17  }
0x93: {  	s2 =	sld [smem:$0x3FFC];
	_ =	sdelay $0x3  }
0x94: {  	_ =	strace s2  }
0x95: {  	s2 =	sld [smem:$0x3FFD];
	_ =	sdelay $0x3  }
0x96: {  	_ =	strace s2  }
0x97: {  	_ =	strace $0x8FFFFFFF  }
0x98: {  	s18 =	sld [smem:$0x3FDB];
	_ =	sdelay $0x1  }
0x99: {  	s19 =	simm.s32 $_scs_section_size  }
0x9a: {  	s4 =	simm.s32 $_size__tile_overlayer_lowered;
	s5 =	simm.s32 $_tile_overlayer_lowered  }
0x9b: {  	s22 =	simm.s32 $0x1BFF;
	s21 =	sshll.u32 s5, $0x1;
	s2 =	sadd.s32 s19, s18  }
0x9c: {  	s6 =	simm.s32 $0x0;
	s20 =	sshll.u32 s4, $0x1;
	s4 =	sadd.s32 s21, s2  }
0x9d: {  	[timem:s6], [sflag:s22] =	dma.local [hbm:s4], s20  }
0x9e: {  	_ =	swait.ge [sflag:s22], s20  }
0x9f: {  	s3 =	ssub.s32 $0x0, s20;
	[sflag:s22] =	ssyncset.done $0x0  }
0xa0: {  	[sflag:s22] =	ssyncadd.s32 s3;
	_ =	sdelay $0x1  }
0xa1: {  	s23 =	simm.s32 $0x1B8B  }
0xa2: {  	_ =	swait.ge [sflag:s23], $0x1  }
0xa3: {  	[sflag:s23] =	ssyncset.done $0x0  }
0xa4: {  	s25 =	simm.s32 $0x1B8E;
	s24 =	sld [smem:$0x3FFE];
	[sflag:s23] =	ssyncadd.s32 $0xFFFFFFFF  }
0xa5: {  	s26 =	simm.s32 $execute0_lowered;
	[smem:$0x3FD2] =	sst s25  }
0xa6: {  	s4 =	sshll.u32 s26, $0x1;
	_ =	strace $0x80000046;
	[dreg:$0x1] =	wrdreg $0xFFFFFFFF  }
0xa7: {  	s28 =	simm.s32 $_size_execute0_lowered;
	s2 =	sadd.s32 s2, s4;
	[dreg:$0x0] =	wrdreg $0x0  }
0xa8: {  	s4 =	sshll.u32 s28, $0x1;
	[dreg:$0x2] =	wrdreg s2  }
0xa9: {  	[dreg:$0x3] =	wrdreg s4  }
0xaa: {  	[dreg:$0x4] =	wrdreg $0xC0  }
0xab: {  	_ =	task [dreg:s6], $0x5FFFF  }
0xac: {  	[dreg:$0x1] =	wrdreg $0xFFFFFFFF  }
0xad: {  	[dreg:$0x0] =	wrdreg $0x60  }
0xae: {  	[dreg:$0x2] =	wrdreg s24  }
0xaf: {  	[dreg:$0x3] =	wrdreg $0x58000  }
0xb0: {  	[dreg:$0x4] =	wrdreg $0x9  }
0xb1: {  	_ =	task.clear_ibuf [dreg:s6], $0x5FFFF;
	_ =	strace $0x90000046  }
0xb2: {  	s29 =	simm.s32 $0x9;
	_ =	strace $0x80000048  }
0xb3: {  	_ =	swait.ge [sflag:s29], $0x1  }
0xb4: {  	[sflag:s29] =	ssyncadd.s32 $0xFFFFFFFF  }
0xb5: {  	_ =	strace $0x90000048  }
0xb6: {  	_ =	sfence  }
0xb7: {  	s30 =	sld [smem:$0x0];
	_ =	sdelay $0x2  }
0xb8: {  	s31 =	sshll.u32 s1, $0xD;
	s1 =	sshrl.u32 s1, $0x2  }
0xb9: {  	s3 =	sand.u32 $0x4000, s31;
	s1 =	sadd.s32 s1, s30  }
0xba: {  	s0 =	sor.u32 s3, s0;
	s1 =	sshll.u32 s1, $0x11  }
0xbb: {  	s0 =	sor.u32 s1, s0  }
0xbc: {  	s0 =	sadd.s32 $0x8F2B, s0  }
0xbd: {  	[sflag:s0] =	ssyncadd.remote.s32 $0x1  }
0xbe: {  	_ =	sfence.sel $0xFFFF  }
0xbf: {  	[dreg:$0x0] =	wrdreg $0xFFFFFFFF;
	(pc) =	sbr.abs _section_cstart, $3  }
0xc0: {  	[dreg:$0x1] =	wrdreg $0xFFFFFFFF  }
0xc1: {  	_ =	task.clear_ibuf [dreg:s6], $0x2FFFF;
	_ =	strace $0x9FFFFFFF  }
0xc2: {  	(tm) =	ssettm $0x7FFFFFFF  }
0xc3: {  	_ =	shalt  }
tec
execute0_lowered:
.L_overlay_start_1:
0x0: {  	(tag) =	ssettag $0x1  }
0x1: {  	s0 =	srdreg.scid;
	s6 =	rddreg [dreg:$0x0]  }
0x2: {  	s2 =	rddreg [dreg:$0x1];
	s7 =	sand.u32 $0x1, s0  }
0x3: {  	s0 =	stileid.u32;
	s4 =	smul.u32 $0x18000, s7  }
0x4: {  	s1 =	rddreg [dreg:$0x2];
	s5 =	smul.u32 $0x1800, s0  }
0x5: {  	s3 =	simm.s32 $0x0;
	s13 =	simm.s32 $0x1;
	s8 =	smul.u32 $0x140000, s7  }
0x6: {  	s14 =	simm.s32 $0x80;
	s15 =	simm.s32 $0x0;
	s30 =	smul.u32 $0x14000, s0  }
0x7: {  	[smem:$0x7FF] =	sst s3;
	s10 =	smul.u32 $0x50000, s0;
	s31 =	ssub.s32 $0x2, s7  }
0x8: {  	_ =	strace $0x80000047;
	s11 =	sshll.u32 s0, $0x6;
	s7 =	sshrl.u32 s31, $0x1  }
0x9: {  	s4 =	sadd.s32 s5, s4;
	s5 =	sadd.s32 s30, s8;
	s10 =	sshrl.u32 s10, $0x2  }
0xa: {  	s12 =	ssub.s32 s31, s7;
	s4 =	sshrl.u32 s4, $0x3;
	s8 =	sshrl.u32 s5, $0x3  }
0xb: {  	s5 =	sadd.s32 $0x8C00, s6;
	s10 =	sadd.s32 s10, s2;
	s9 =	sadd.s32 s4, s6  }
0xc: {  	s4 =	sadd.s32 $0xB400, s6;
	s8 =	sadd.s32 s8, s6;
	s6 =	sor.u32 $0x1C02, s11  }
0xd: {  	s10 =	sshrl.u32 s10, $0x3;
	s11 =	simm.s32 $0x2;
	s7 =	sadd.s32 $0x2C00, s9  }
0xe: {  	s8 =	sadd.s32 $0xBC00, s8;
	s9 =	smax.u32 s12, $0x1;
	s12 =	simm.s32 $0x1800  }
.LBB2_1:
0xf: {  	[spmem:s10], [sflag:s6] =	dma.local [hbm:s5], $0x2800  }
0x10: {  	_ =	swait.ge [sflag:s11], $0x2800  }
0x11: {  	[sflag:s11] =	ssyncset.done $0x0  }
0x12: {  	[sflag:s11] =	ssyncadd.s32 $0xFFFFD800  }
0x13: {  	[tilespmem:s12], [sflag:$0x1] =	stream.linear.gather [hbm4b:s4+s3], $0x4000, $0x38;
	[tilespmem:$0x19800] =	vst v63  }
0x14: {  	_ =	swait.ge [sflag:s13], $0x4000  }
0x15: {  	[sflag:s13] =	ssyncset.done $0x0  }
0x16: {  	[sflag:s13] =	ssyncadd.s32 $0xFFFFC000  }
0x17: {  	[tilespmem:s3], [sflag:$0x1] =	stream.linear.gather [hbm4b:s7+s3], $0x1500, $0x38;
	[tilespmem:$0x19800] =	vst v63  }
0x18: {  	_ =	swait.ge [sflag:s13], $0x1500  }
0x19: {  	[sflag:s13] =	ssyncset.done $0x0  }
0x1a: {  	[sflag:s13] =	ssyncadd.s32 $0xFFFFEB00  }
0x1b: {  	s16 =	simm.s32 $0x0;
	[bflag:$0x0] =	sbarrier.arrive $0xFFFF  }
0x1c: {  	[spmem:s2] =	stream.indirect.scatter.add.f32 [tilespmem:s12], [sflag:$0x2], $0x80, s16, s14, $0xb8;
	[tilespmem:$0x19800] =	vst v63  }
0x1d: {  	_ =	swait.ge [sflag:s11], $0x4000  }
0x1e: {  	s16 =	simm.s32 $0x200;
	[sflag:s11] =	ssyncset.done $0x0  }
.LBB2_2:
0x1f: {  	s17 =	sshra.s32 s16, $0x2;
	[sflag:s11] =	ssyncadd.s32 $0xFFFFC000;
	p0 =	sne.s32 s16, $0x5200  }
0x20: {  	[spmem:s2] =	stream.indirect.scatter.add.f32 [tilespmem:s12], [sflag:$0x2], $0x80, s17, s14, $0xb8;
	[tilespmem:$0x19800] =	vst v63  }
.Ltmp0:
0x21: {  	_ = 	snop;
	(pc) =	sbr.rel @p0 .LBB2_2-.Ltmp0, $4  }
0x22: {  	_ = 	snop  }
0x23: {  	s16 =	sadd.s32 $0x200, s16  }
0x24: {  	_ =	swait.ge [sflag:s11], $0x4000  }
0x25: {  	[sflag:s11] =	ssyncset.done $0x0  }
0x26: {  	s15 =	sadd.s32 $0x1, s15  }
0x27: {  	[sflag:s11] =	ssyncadd.s32 $0xFFFFC000;
	p0 =	sne.s32 s15, s9  }
.Ltmp1:
0x28: {  	[bflag:$0x0] =	sbarrier.arrive $0xFFFF;
	(pc) =	sbr.rel @p0 .LBB2_1-.Ltmp1, $4  }
0x29: {  	[hbm:s8], [sflag:s6] =	dma.local [spmem:s10], $0x2800  }
0x2a: {  	_ =	swait.ge [sflag:s11], $0x2800  }
0x2b: {  	[sflag:s11] =	ssyncset.done $0x0  }
0x2c: {  	[sflag:s11] =	ssyncadd.s32 $0xFFFFD800  }
0x2d: {  	_ =	sfence.sel $0x180000  }
0x2e: {  	[bflag:$0x0] =	sbarrier.arrive $0xFFFF  }
0x2f: {  	p0 =	sne.s32 s0, $0x0;
	_ =	strace $0x90000047  }
0x30: {  	s0 =	sadd.s32 @!p0 $0x100000, s1;
	[bflag:$0x2] =	sbarrier.arrive $0xFFFF  }
0x31: {  	[sflag:s0] =	ssyncadd.tile.s32 @!p0 $0x1;
	_ =	shalt  }
.Lfunc_end2:
_tile_overlayer_lowered:
.L_overlay_start_2:
0x32: {  	(tag) =	ssettag $0x2  }
0x33: {  	s0 =	rddreg [dreg:$0x0];
	s2 =	stileid.u32  }
0x34: {  	s1 =	rddreg [dreg:$0x1];
	p0 =	sne.s32 s2, $0x0  }
0x35: {  	s3 =	rddreg [dreg:$0x2];
	[bflag:$0x3] =	sbarrier.arrive $0xFFFF;
	s2 =	simm.s32 @!p0 $0x1C02  }
0x36: {  	[timem:s3], [sflag:s2] =	dma.local @!p0 [hbm:s0], s1  }
0x37: {  	s0 =	simm.s32 @!p0 $0x2  }
0x38: {  	_ =	swait.ge @!p0 [sflag:s0], s1  }
0x39: {  	s1 =	ssub.s32 @!p0 $0x0, s1;
	[sflag:s0] =	ssyncset.done @!p0 $0x0  }
0x3a: {  	[sflag:s0] =	ssyncadd.s32 @!p0 s1  }
0x3b: {  	[bflag:$0x3] =	sbarrier.arrive $0xFFFF  }
0x3c: {  	_ =	shalt  }

// kernel: kernel.13.cloned.1.call-start
scs
__scs_entry_jumppad:
0x0: {  	(pc) =	sbr.rel $0x88, $3  }
0x1: {  	(tag) =	ssettag $0x0;
	lr =	simm.s32 $0x1  }
0x2: {  	[smem:$0x3F97] =	sst lr;
	_ =	strace $0xD0000000  }
0x3: {  	_ = 	snop  }
0x4: {  	_ = 	snop  }
0x5: {  	_ = 	snop  }
0x6: {  	_ = 	snop  }
0x7: {  	_ = 	snop  }
__scs_overlays_trampoline_lowered:
0x8: {  	[smem:$0x3FA6] =	sst s0  }
0x9: {  	[smem:$0x3FA7] =	sst s1  }
0xa: {  	[smem:$0x3FA8] =	sst s2  }
0xb: {  	[smem:$0x3FA9] =	sst s3  }
0xc: {  	[smem:$0x3FAA] =	sst s4  }
0xd: {  	[smem:$0x3FAB] =	sst s5  }
0xe: {  	[smem:$0x3FAC] =	sst s6  }
0xf: {  	[smem:$0x3FAD] =	sst s7  }
0x10: {  	[smem:$0x3FAE] =	sst s8  }
0x11: {  	[smem:$0x3FAF] =	sst s9;
	s0 =	simm.s32 @!p0 $0x0  }
0x12: {  	s1 =	sld [smem:$0x3F95];
	s0 =	simm.s32 @p0 $0x1  }
0x13: {  	[smem:$0x3FB0] =	sst s0;
	s0 =	simm.s32 @!p1 $0x0  }
0x14: {  	s2 =	sld [smem:$0x3F94];
	s0 =	simm.s32 @p1 $0x1  }
0x15: {  	[smem:$0x3FB1] =	sst s0;
	s0 =	simm.s32 @!p2 $0x0  }
0x16: {  	s3 =	sld [smem:$0x3FDB];
	s0 =	simm.s32 @p2 $0x1  }
0x17: {  	s4 =	simm.s32 $0x1BF5;
	[smem:$0x3FB3] =	sst s0  }
0x18: {  	s0 =	sld [smem:$0x3F96];
	_ =	swait.ge [sflag:s4], $0x0  }
0x19: {  	s7 =	sld [smem:$0x3F97]  }
0x1a: {  	s8 =	sadd.s32 $0xFFFFE003, lr  }
0x1b: {  	s9 =	sadd.s32 $0xFFFFFEF7, lr;
	s5 =	simm.s32 $0xFFFFFFFF;
	p2 =	slt.u32 s8, $0xFFFFF086  }
0x1c: {  	p1 =	slt.u32 s9, $0xF7A;
	s5 =	simm.s32 @!p2 $0x0  }
0x1d: {  	s5 =	simm.s32 @p1 $0x1;
	p0 =	seq.s32 s7, s2  }
0x1e: {  	s7 =	smul.u32 @!p0 $0xF7A, s2;
	p2 =	seq.s32 @!p0 s5, $0x0  }
0x1f: {  	s9 =	smul.u32 $0xF7A, s1;
	s8 =	simm.s32 @!p0 $0x1BF5;
	p2 =	por !p2, p0  }
0x20: {  	[sflag:s8] =	ssyncset.s32 @!p0 $0xFFFFF086;
	s6 =	sadd.s32 @!p0 s3, s7;
	s7 =	simm.s32 @!p0 $0x108  }
0x21: {  	s3 =	sadd.s32 s3, s9;
	s6 =	sadd.s32 @!p0 $0x88, s6;
	s7 =	simm.s32 @p2 $0x1082  }
0x22: {  	[simem:s7], [sflag:s8] =	dma.local @!p0 [hbm:s6], $0xF7A  }
0x23: {  	s9 =	sor.u32 $0xD0000000, s2;
	s6 =	simm.s32 $0x108;
	_ =	swait.ge @!p0 [sflag:s8], $0x0  }
0x24: {  	s3 =	sadd.s32 $0x88, s3;
	s6 =	simm.s32 @!p1 $0x1082;
	[sflag:s4] =	ssyncset.s32 $0xFFFFF086  }
0x25: {  	[simem:s6], [sflag:s4] =	dma.local [hbm:s3], $0xF7A  }
0x26: {  	[smem:$0x3F97] =	sst s1;
	(tag) =	ssettag s2;
	_ =	strace s9  }
0x27: {  	s1 =	sld [smem:$0x3FA7]  }
0x28: {  	s2 =	sld [smem:$0x3FA8]  }
0x29: {  	s4 =	sld [smem:$0x3FAA]  }
0x2a: {  	p0 =	seq.s32 s5, $0x0;
	s5 =	sld [smem:$0x3FAB]  }
0x2b: {  	s6 =	sld [smem:$0x3FAC]  }
0x2c: {  	s7 =	sld [smem:$0x3FAD]  }
0x2d: {  	s3 =	simm.s32 $0x108;
	s8 =	sld [smem:$0x3FAE]  }
0x2e: {  	s3 =	simm.s32 @!p0 $0x1082;
	s9 =	sld [smem:$0x3FAF]  }
0x2f: {  	lr =	sadd.s32 s0, s3;
	s0 =	sld [smem:$0x3FA6]  }
0x30: {  	s3 =	sld [smem:$0x3FA9]  }
0x31: {  	[smem:$0x3FB2] =	sst s10  }
0x32: {  	s10 =	sld [smem:$0x3FB0];
	_ =	sdelay $0x3  }
0x33: {  	p0 =	seq.s32 s10, $0x1;
	s10 =	sld [smem:$0x3FB2];
	_ =	sdelay $0x3  }
0x34: {  	[smem:$0x3FB2] =	sst s10  }
0x35: {  	s10 =	sld [smem:$0x3FB1];
	_ =	sdelay $0x3  }
0x36: {  	p1 =	seq.s32 s10, $0x1;
	s10 =	sld [smem:$0x3FB2];
	_ =	sdelay $0x3  }
0x37: {  	[smem:$0x3FB2] =	sst s10  }
0x38: {  	s10 =	sld [smem:$0x3FB3]  }
0x39: {  	_ = 	snop;
	(pc) =	sbr.ind lr, $3  }
0x3a: {  	_ = 	snop  }
0x3b: {  	_ = 	snop  }
0x3c: {  	p2 =	seq.s32 s10, $0x1;
	s10 =	sld [smem:$0x3FB2]  }
0x3d: {  	_ =	shalt  }
0x3e: {  	_ =	shalt  }
0x3f: {  	_ =	shalt  }
0x40: {  	_ =	shalt  }
0x41: {  	_ =	shalt  }
0x42: {  	_ =	shalt  }
0x43: {  	_ =	shalt  }
0x44: {  	_ =	shalt  }
0x45: {  	_ =	shalt  }
0x46: {  	_ =	shalt  }
0x47: {  	_ =	shalt  }
0x48: {  	_ =	shalt  }
0x49: {  	_ =	shalt  }
0x4a: {  	_ =	shalt  }
0x4b: {  	_ =	shalt  }
0x4c: {  	_ =	shalt  }
0x4d: {  	_ =	shalt  }
0x4e: {  	_ =	shalt  }
0x4f: {  	_ =	shalt  }
0x50: {  	_ =	shalt  }
0x51: {  	_ =	shalt  }
0x52: {  	_ =	shalt  }
0x53: {  	_ =	shalt  }
0x54: {  	_ =	shalt  }
0x55: {  	_ =	shalt  }
0x56: {  	_ =	shalt  }
0x57: {  	_ =	shalt  }
0x58: {  	_ =	shalt  }
0x59: {  	_ =	shalt  }
0x5a: {  	_ =	shalt  }
0x5b: {  	_ =	shalt  }
0x5c: {  	_ =	shalt  }
0x5d: {  	_ =	shalt  }
0x5e: {  	_ =	shalt  }
0x5f: {  	_ =	shalt  }
0x60: {  	_ =	shalt  }
0x61: {  	_ =	shalt  }
0x62: {  	_ =	shalt  }
0x63: {  	_ =	shalt  }
0x64: {  	_ =	shalt  }
0x65: {  	_ =	shalt  }
0x66: {  	_ =	shalt  }
0x67: {  	_ =	shalt  }
0x68: {  	_ =	shalt  }
0x69: {  	_ =	shalt  }
0x6a: {  	_ =	shalt  }
0x6b: {  	_ =	shalt  }
0x6c: {  	_ =	shalt  }
0x6d: {  	_ =	shalt  }
0x6e: {  	_ =	shalt  }
0x6f: {  	_ =	shalt  }
0x70: {  	_ =	shalt  }
0x71: {  	_ =	shalt  }
0x72: {  	_ =	shalt  }
0x73: {  	_ =	shalt  }
0x74: {  	_ =	shalt  }
0x75: {  	_ =	shalt  }
0x76: {  	_ =	shalt  }
0x77: {  	_ =	shalt  }
0x78: {  	_ =	shalt  }
0x79: {  	_ =	shalt  }
0x7a: {  	_ =	shalt  }
0x7b: {  	_ =	shalt  }
0x7c: {  	_ =	shalt  }
0x7d: {  	_ =	shalt  }
0x7e: {  	_ =	shalt  }
0x7f: {  	_ =	shalt  }
0x80: {  	_ =	shalt  }
0x81: {  	_ =	shalt  }
0x82: {  	_ =	shalt  }
0x83: {  	_ =	shalt  }
0x84: {  	_ =	shalt  }
0x85: {  	_ =	shalt  }
0x86: {  	_ =	shalt  }
0x87: {  	_ =	shalt  }
.Lfunc_end0:
.L_simem_size_0:
called_computation.1_lowered:
.L_overlay_start_0:
0x88: {  	s2 =	sld [smem:$0x3FD9]  }
0x89: {  	s3 =	sld [smem:$0x3FFE];
	_ =	sdelay $0x1  }
0x8a: {  	s1 =	srdreg.scid  }
0x8b: {  	s0 =	sand.u32 $0x1, s1  }
0x8c: {  	s17 =	sshll.u32 s0, $0xA;
	s2 =	sadd.s32 s3, s2  }
0x8d: {  	s2 =	sadd.s32 s2, s17  }
0x8e: {  	[smem:$0x3FBE] =	sst s2  }
0x8f: {  	_ = 	snop  }
0x90: {  	s2 =	sld [smem:$0x3FD0];
	(tm) =	ssettm $0x1  }
0x91: {  	s18 =	sld [smem:$0x3FFB];
	_ =	sdelay $0x3  }
0x92: {  	_ =	strace s18  }
0x93: {  	s3 =	sld [smem:$0x3FFC];
	_ =	sdelay $0x3  }
0x94: {  	_ =	strace s3  }
0x95: {  	s3 =	sld [smem:$0x3FFD];
	_ =	sdelay $0x3  }
0x96: {  	_ =	strace s3  }
0x97: {  	_ =	strace $0x8FFFFFFF  }
0x98: {  	s19 =	sld [smem:$0x3FDB];
	_ =	sdelay $0x1  }
0x99: {  	s4 =	simm.s32 $_scs_section_size  }
0x9a: {  	s5 =	simm.s32 $_size__tile_overlayer_lowered;
	s6 =	simm.s32 $_tile_overlayer_lowered  }
0x9b: {  	s22 =	simm.s32 $0x1BFF;
	s21 =	sshll.u32 s6, $0x1;
	s3 =	sadd.s32 s4, s19  }
0x9c: {  	s7 =	simm.s32 $0x0;
	s20 =	sshll.u32 s5, $0x1;
	s5 =	sadd.s32 s21, s3  }
0x9d: {  	[timem:s7], [sflag:s22] =	dma.local [hbm:s5], s20  }
0x9e: {  	_ =	swait.ge [sflag:s22], s20  }
0x9f: {  	s4 =	ssub.s32 $0x0, s20;
	[sflag:s22] =	ssyncset.done $0x0  }
0xa0: {  	[sflag:s22] =	ssyncadd.s32 s4;
	_ =	sdelay $0x1  }
0xa1: {  	s23 =	simm.s32 $0x1B8B  }
0xa2: {  	_ =	swait.ge [sflag:s23], $0x1  }
0xa3: {  	[sflag:s23] =	ssyncset.done $0x0  }
0xa4: {  	s25 =	simm.s32 $0x1B8E;
	s24 =	sld [smem:$0x3FFE];
	[sflag:s23] =	ssyncadd.s32 $0xFFFFFFFF  }
0xa5: {  	s26 =	simm.s32 $execute0_lowered;
	[smem:$0x3FD2] =	sst s25  }
0xa6: {  	s5 =	sshll.u32 s26, $0x1;
	_ =	strace $0x80000049;
	[dreg:$0x1] =	wrdreg $0xFFFFFFFF  }
0xa7: {  	s28 =	simm.s32 $_size_execute0_lowered;
	s3 =	sadd.s32 s3, s5;
	[dreg:$0x0] =	wrdreg $0x0  }
0xa8: {  	s5 =	sshll.u32 s28, $0x1;
	[dreg:$0x2] =	wrdreg s3  }
0xa9: {  	[dreg:$0x3] =	wrdreg s5  }
0xaa: {  	[dreg:$0x4] =	wrdreg $0xC0  }
0xab: {  	_ =	task [dreg:s7], $0x5FFFF  }
0xac: {  	[dreg:$0x1] =	wrdreg $0xFFFFFFFF  }
0xad: {  	[dreg:$0x0] =	wrdreg $0x60  }
0xae: {  	[dreg:$0x2] =	wrdreg s24  }
0xaf: {  	[dreg:$0x3] =	wrdreg s2  }
0xb0: {  	[dreg:$0x4] =	wrdreg $0xB0000  }
0xb1: {  	[dreg:$0x5] =	wrdreg $0x9  }
0xb2: {  	_ =	task.clear_ibuf [dreg:s7], $0x6FFFF;
	_ =	strace $0x90000049  }
0xb3: {  	s29 =	simm.s32 $0x9;
	_ =	strace $0x8000004B  }
0xb4: {  	_ =	swait.ge [sflag:s29], $0x1  }
0xb5: {  	[sflag:s29] =	ssyncadd.s32 $0xFFFFFFFF  }
0xb6: {  	_ =	strace $0x9000004B  }
0xb7: {  	_ =	sfence  }
0xb8: {  	s30 =	sld [smem:$0x0];
	_ =	sdelay $0x2  }
0xb9: {  	s31 =	sshll.u32 s1, $0xD;
	s1 =	sshrl.u32 s1, $0x2  }
0xba: {  	s3 =	sand.u32 $0x4000, s31;
	s1 =	sadd.s32 s1, s30  }
0xbb: {  	s0 =	sor.u32 s3, s0;
	s1 =	sshll.u32 s1, $0x11  }
0xbc: {  	s0 =	sor.u32 s1, s0  }
0xbd: {  	s0 =	sadd.s32 $0x8F2B, s0  }
0xbe: {  	[sflag:s0] =	ssyncadd.remote.s32 $0x1  }
0xbf: {  	_ =	sfence.sel $0xFFFF  }
0xc0: {  	[dreg:$0x0] =	wrdreg $0xFFFFFFFF;
	(pc) =	sbr.abs _section_cstart, $3  }
0xc1: {  	[dreg:$0x1] =	wrdreg $0xFFFFFFFF  }
0xc2: {  	_ =	task.clear_ibuf [dreg:s7], $0x2FFFF;
	_ =	strace $0x9FFFFFFF  }
0xc3: {  	(tm) =	ssettm $0x7FFFFFFF  }
tec
execute0_lowered:
.L_overlay_start_1:
0x0: {  	(tag) =	ssettag $0x1  }
0x1: {  	s6 =	rddreg [dreg:$0x0]  }
0x2: {  	s9 =	rddreg [dreg:$0x1]  }
0x3: {  	s0 =	stileid.u32;
	s1 =	srdreg.scid  }
0x4: {  	s2 =	rddreg [dreg:$0x2];
	s3 =	simm.s32 $0x0;
	s15 =	simm.s32 $0x1  }
0x5: {  	s16 =	simm.s32 $0x1800;
	s17 =	simm.s32 $0x80;
	s18 =	simm.s32 $0x3000  }
0x6: {  	s19 =	simm.s32 $0x7000;
	s20 =	simm.s32 $0x2;
	s21 =	simm.s32 $0x1480  }
0x7: {  	s22 =	simm.s32 $0x2C00;
	s23 =	simm.s32 $0x2C80;
	s7 =	smul.u32 $0x3000, s0  }
0x8: {  	s5 =	sand.u32 $0x1, s1;
	s1 =	rddreg [dreg:$0x3];
	s11 =	smul.u32 $0x14000, s0  }
0x9: {  	s24 =	simm.s32 $0x0;
	[smem:$0x7FF] =	sst s3;
	s26 =	smul.u32 $0x50000, s0  }
0xa: {  	s4 =	sadd.s32 $0x61C00, s6;
	s29 =	sshll.u32 s0, $0x6;
	s8 =	smul.u32 $0x140000, s5  }
0xb: {  	_ =	strace $0x8000004A;
	s25 =	ssub.s32 $0x2, s5;
	s14 =	smul.u32 $0x30000, s5  }
0xc: {  	s5 =	sadd.s32 $0x8C00, s6;
	s10 =	sshrl.u32 s7, $0x3;
	s13 =	sshrl.u32 s25, $0x1  }
0xd: {  	s28 =	sshrl.u32 s26, $0x2;
	s12 =	sadd.s32 s10, s6;
	s8 =	sadd.s32 s11, s8  }
0xe: {  	s10 =	ssub.s32 s25, s13;
	s7 =	sadd.s32 s14, s7;
	s30 =	sadd.s32 s28, s2  }
0xf: {  	s14 =	simm.s32 $0x3;
	s8 =	sshrl.u32 s8, $0x3;
	s31 =	sshrl.u32 s7, $0x3  }
0x10: {  	s13 =	sshrl.u32 s30, $0x3;
	s8 =	sadd.s32 s8, s6;
	s6 =	sor.u32 $0x1C03, s29  }
0x11: {  	s9 =	sadd.s32 s9, s31;
	s7 =	sadd.s32 $0xB1C00, s8;
	s8 =	smax.u32 s10, $0x1  }
0x12: {  	s10 =	sadd.s32 $0x5BC00, s12;
	s11 =	sadd.s32 $0x300, s9;
	s12 =	sadd.s32 $0x5BF00, s12  }
.LBB2_1:
0x13: {  	[spmem:s13], [sflag:s6] =	dma.local [hbm:s5], $0x2800  }
0x14: {  	_ =	swait.ge [sflag:s14], $0x2800  }
0x15: {  	[sflag:s14] =	ssyncset.done $0x0  }
0x16: {  	[sflag:s14] =	ssyncadd.s32 $0xFFFFD800  }
0x17: {  	[bflag:$0x0] =	sbarrier.arrive $0xFFFF  }
0x18: {  	[tilespmem:s3], [sflag:$0x1] =	stream.linear.gather [hbm4b:s9+s3], $0x1500, $0x38;
	[tilespmem:$0x1F000] =	vst v63  }
0x19: {  	_ =	swait.ge [sflag:s15], $0x1500  }
0x1a: {  	[sflag:s15] =	ssyncset.done $0x0  }
0x1b: {  	[sflag:s15] =	ssyncadd.s32 $0xFFFFEB00  }
0x1c: {  	[tilespmem:s16], [sflag:$0x1] =	stream.linear.gather [hbm4b:s10+s3], $0x1500, $0x38;
	[tilespmem:$0x1F000] =	vst v63  }
0x1d: {  	_ =	swait.ge [sflag:s15], $0x1500  }
0x1e: {  	[sflag:s15] =	ssyncset.done $0x0  }
0x1f: {  	[sflag:s15] =	ssyncadd.s32 $0xFFFFEB00  }
0x20: {  	[tilespmem:s18], [sflag:$0x1] =	stream.indirect.gather [hbm4b:s4+s17], $0x80, s3, s17, $0xb8;
	[tilespmem:$0x1F000] =	vst v63  }
0x21: {  	_ =	swait.ge [sflag:s15], $0x4000  }
0x22: {  	[sflag:s15] =	ssyncset.done $0x0  }
0x23: {  	s25 =	simm.s32 $0x80;
	[sflag:s15] =	ssyncadd.s32 $0xFFFFC000  }
0x24: {  	[tilespmem:s19], [sflag:$0x2] =	stream.indirect.gather [hbm4b:s4+s17], $0x80, s25, s17, $0xb8;
	[tilespmem:$0x1F000] =	vst v63  }
0x25: {  	s29 =	simm.s32 $0x1800  }
0x26: {  	[spmem:s2] =	stream.indirect.scatter.add.f32 [tilespmem:s18], [sflag:$0x3], $0x80, s29, s17, $0xb8;
	[tilespmem:$0x1F000] =	vst v63  }
0x27: {  	_ =	swait.ge [sflag:s14], $0x4000  }
0x28: {  	[sflag:s14] =	ssyncset.done $0x0  }
0x29: {  	[sflag:s14] =	ssyncadd.s32 $0xFFFFC000  }
0x2a: {  	_ =	swait.ge [sflag:s20], $0x4000  }
0x2b: {  	[sflag:s20] =	ssyncset.done $0x0  }
0x2c: {  	s30 =	simm.s32 $0x100;
	[sflag:s20] =	ssyncadd.s32 $0xFFFFC000  }
0x2d: {  	[tilespmem:s18], [sflag:$0x1] =	stream.indirect.gather [hbm4b:s4+s17], $0x80, s30, s17, $0xb8;
	[tilespmem:$0x1F000] =	vst v63  }
0x2e: {  	s31 =	simm.s32 $0x1880  }
0x2f: {  	[spmem:s2] =	stream.indirect.scatter.add.f32 [tilespmem:s19], [sflag:$0x3], $0x80, s31, s17, $0xb8;
	[tilespmem:$0x1F000] =	vst v63  }
0x30: {  	_ =	swait.ge [sflag:s14], $0x4000  }
0x31: {  	s25 =	simm.s32 $0x400;
	[sflag:s14] =	ssyncset.done $0x0  }
.LBB2_2:
0x32: {  	p0 =	sne.s32 s25, $0x4C00  }
0x33: {  	[sflag:s14] =	ssyncadd.s32 $0xFFFFC000;
	s26 =	smov.u32 s25;
	s25 =	sadd.s32 $0x400, s25  }
0x34: {  	_ = 	snop  }
0x35: {  	_ =	swait.ge [sflag:s15], $0x4000  }
0x36: {  	s26 =	sshra.s32 s26, $0x2;
	[sflag:s15] =	ssyncset.done $0x0  }
0x37: {  	s28 =	sadd.s32 $0x80, s26;
	[sflag:s15] =	ssyncadd.s32 $0xFFFFC000  }
0x38: {  	[tilespmem:s19], [sflag:$0x2] =	stream.indirect.gather [hbm4b:s4+s17], $0x80, s28, s17, $0xb8;
	[tilespmem:$0x1F000] =	vst v63  }
0x39: {  	s28 =	sadd.s32 $0x1800, s26  }
0x3a: {  	[spmem:s2] =	stream.indirect.scatter.add.f32 [tilespmem:s18], [sflag:$0x3], $0x80, s28, s17, $0xb8;
	[tilespmem:$0x1F000] =	vst v63  }
0x3b: {  	_ =	swait.ge [sflag:s14], $0x4000  }
0x3c: {  	[sflag:s14] =	ssyncset.done $0x0  }
0x3d: {  	[sflag:s14] =	ssyncadd.s32 $0xFFFFC000  }
0x3e: {  	_ =	swait.ge [sflag:s20], $0x4000  }
0x3f: {  	[sflag:s20] =	ssyncset.done $0x0  }
0x40: {  	s28 =	sadd.s32 $0x100, s26;
	[sflag:s20] =	ssyncadd.s32 $0xFFFFC000  }
0x41: {  	[tilespmem:s18], [sflag:$0x1] =	stream.indirect.gather [hbm4b:s4+s17], $0x80, s28, s17, $0xb8;
	[tilespmem:$0x1F000] =	vst v63  }
.Ltmp0:
0x42: {  	_ = 	snop;
	(pc) =	sbr.rel @p0 .LBB2_2-.Ltmp0, $4  }
0x43: {  	s26 =	sadd.s32 $0x1880, s26  }
0x44: {  	[spmem:s2] =	stream.indirect.scatter.add.f32 [tilespmem:s19], [sflag:$0x3], $0x80, s26, s17, $0xb8;
	[tilespmem:$0x1F000] =	vst v63  }
0x45: {  	_ =	swait.ge [sflag:s14], $0x4000  }
0x46: {  	[sflag:s14] =	ssyncset.done $0x0  }
0x47: {  	[sflag:s14] =	ssyncadd.s32 $0xFFFFC000  }
0x48: {  	_ =	swait.ge [sflag:s15], $0x4000  }
0x49: {  	[sflag:s15] =	ssyncset.done $0x0  }
0x4a: {  	[sflag:s15] =	ssyncadd.s32 $0xFFFFC000  }
0x4b: {  	[tilespmem:s19], [sflag:$0x2] =	stream.indirect.gather [hbm4b:s4+s17], $0x80, s21, s17, $0xb8;
	[tilespmem:$0x1F000] =	vst v63  }
0x4c: {  	_ = 	snop  }
0x4d: {  	[spmem:s2] =	stream.indirect.scatter.add.f32 [tilespmem:s18], [sflag:$0x3], $0x80, s22, s17, $0xb8;
	[tilespmem:$0x1F000] =	vst v63  }
0x4e: {  	_ =	swait.ge [sflag:s14], $0x4000  }
0x4f: {  	[sflag:s14] =	ssyncset.done $0x0  }
0x50: {  	[sflag:s14] =	ssyncadd.s32 $0xFFFFC000  }
0x51: {  	_ =	swait.ge [sflag:s20], $0x4000  }
0x52: {  	[sflag:s20] =	ssyncset.done $0x0  }
0x53: {  	[sflag:s20] =	ssyncadd.s32 $0xFFFFC000  }
0x54: {  	[tilespmem:s18], [sflag:$0x1] =	stream.indirect.gather [hbm4b:s4+s17], $0x80, s21, s17, $0xb8;
	[tilespmem:$0x1F000] =	vst v63  }
0x55: {  	_ = 	snop  }
0x56: {  	[spmem:s2] =	stream.indirect.scatter.add.f32 [tilespmem:s19], [sflag:$0x3], $0x80, s23, s17, $0xb8;
	[tilespmem:$0x1F000] =	vst v63  }
0x57: {  	_ =	swait.ge [sflag:s14], $0x4000  }
0x58: {  	[sflag:s14] =	ssyncset.done $0x0  }
0x59: {  	[sflag:s14] =	ssyncadd.s32 $0xFFFFC000  }
0x5a: {  	_ =	swait.ge [sflag:s15], $0x4000  }
0x5b: {  	[sflag:s15] =	ssyncset.done $0x0  }
0x5c: {  	s25 =	simm.s32 $0x0;
	[sflag:s15] =	ssyncadd.s32 $0xFFFFC000  }
0x5d: {  	[tilespmem:s25], [sflag:$0x1] =	stream.linear.gather [hbm4b:s11+s25], $0x1500, $0x38;
	[tilespmem:$0x1F000] =	vst v63  }
0x5e: {  	_ =	swait.ge [sflag:s15], $0x1500  }
0x5f: {  	[sflag:s15] =	ssyncset.done $0x0  }
0x60: {  	[sflag:s15] =	ssyncadd.s32 $0xFFFFEB00  }
0x61: {  	[tilespmem:s16], [sflag:$0x1] =	stream.linear.gather [hbm4b:s12+s25], $0x1500, $0x38;
	[tilespmem:$0x1F000] =	vst v63  }
0x62: {  	_ =	swait.ge [sflag:s15], $0x1500  }
0x63: {  	[sflag:s15] =	ssyncset.done $0x0  }
0x64: {  	[sflag:s15] =	ssyncadd.s32 $0xFFFFEB00  }
0x65: {  	[tilespmem:s18], [sflag:$0x1] =	stream.indirect.gather [hbm4b:s4+s17], $0x80, s25, s17, $0xb8;
	[tilespmem:$0x1F000] =	vst v63  }
0x66: {  	_ =	swait.ge [sflag:s15], $0x4000  }
0x67: {  	[sflag:s15] =	ssyncset.done $0x0  }
0x68: {  	s28 =	simm.s32 $0x80;
	[sflag:s15] =	ssyncadd.s32 $0xFFFFC000  }
0x69: {  	[tilespmem:s19], [sflag:$0x2] =	stream.indirect.gather [hbm4b:s4+s17], $0x80, s28, s17, $0xb8;
	[tilespmem:$0x1F000] =	vst v63  }
0x6a: {  	s29 =	simm.s32 $0x1800  }
0x6b: {  	[spmem:s2] =	stream.indirect.scatter.add.f32 [tilespmem:s18], [sflag:$0x3], $0x80, s29, s17, $0xb8;
	[tilespmem:$0x1F000] =	vst v63  }
0x6c: {  	_ =	swait.ge [sflag:s14], $0x4000  }
0x6d: {  	[sflag:s14] =	ssyncset.done $0x0  }
0x6e: {  	[sflag:s14] =	ssyncadd.s32 $0xFFFFC000  }
0x6f: {  	_ =	swait.ge [sflag:s20], $0x4000  }
0x70: {  	[sflag:s20] =	ssyncset.done $0x0  }
0x71: {  	s30 =	simm.s32 $0x100;
	[sflag:s20] =	ssyncadd.s32 $0xFFFFC000  }
0x72: {  	[tilespmem:s18], [sflag:$0x1] =	stream.indirect.gather [hbm4b:s4+s17], $0x80, s30, s17, $0xb8;
	[tilespmem:$0x1F000] =	vst v63  }
0x73: {  	s31 =	simm.s32 $0x1880  }
0x74: {  	[spmem:s2] =	stream.indirect.scatter.add.f32 [tilespmem:s19], [sflag:$0x3], $0x80, s31, s17, $0xb8;
	[tilespmem:$0x1F000] =	vst v63  }
0x75: {  	_ =	swait.ge [sflag:s14], $0x4000  }
0x76: {  	s25 =	simm.s32 $0x400;
	[sflag:s14] =	ssyncset.done $0x0  }
.LBB2_4:
0x77: {  	p0 =	sne.s32 s25, $0x4C00  }
0x78: {  	[sflag:s14] =	ssyncadd.s32 $0xFFFFC000;
	s26 =	smov.u32 s25;
	s25 =	sadd.s32 $0x400, s25  }
0x79: {  	_ = 	snop  }
0x7a: {  	_ =	swait.ge [sflag:s15], $0x4000  }
0x7b: {  	s26 =	sshra.s32 s26, $0x2;
	[sflag:s15] =	ssyncset.done $0x0  }
0x7c: {  	s28 =	sadd.s32 $0x80, s26;
	[sflag:s15] =	ssyncadd.s32 $0xFFFFC000  }
0x7d: {  	[tilespmem:s19], [sflag:$0x2] =	stream.indirect.gather [hbm4b:s4+s17], $0x80, s28, s17, $0xb8;
	[tilespmem:$0x1F000] =	vst v63  }
0x7e: {  	s28 =	sadd.s32 $0x1800, s26  }
0x7f: {  	[spmem:s2] =	stream.indirect.scatter.add.f32 [tilespmem:s18], [sflag:$0x3], $0x80, s28, s17, $0xb8;
	[tilespmem:$0x1F000] =	vst v63  }
0x80: {  	_ =	swait.ge [sflag:s14], $0x4000  }
0x81: {  	[sflag:s14] =	ssyncset.done $0x0  }
0x82: {  	[sflag:s14] =	ssyncadd.s32 $0xFFFFC000  }
0x83: {  	_ =	swait.ge [sflag:s20], $0x4000  }
0x84: {  	[sflag:s20] =	ssyncset.done $0x0  }
0x85: {  	s28 =	sadd.s32 $0x100, s26;
	[sflag:s20] =	ssyncadd.s32 $0xFFFFC000  }
0x86: {  	[tilespmem:s18], [sflag:$0x1] =	stream.indirect.gather [hbm4b:s4+s17], $0x80, s28, s17, $0xb8;
	[tilespmem:$0x1F000] =	vst v63  }
.Ltmp1:
0x87: {  	_ = 	snop;
	(pc) =	sbr.rel @p0 .LBB2_4-.Ltmp1, $4  }
0x88: {  	s26 =	sadd.s32 $0x1880, s26  }
0x89: {  	[spmem:s2] =	stream.indirect.scatter.add.f32 [tilespmem:s19], [sflag:$0x3], $0x80, s26, s17, $0xb8;
	[tilespmem:$0x1F000] =	vst v63  }
0x8a: {  	_ =	swait.ge [sflag:s14], $0x4000  }
0x8b: {  	[sflag:s14] =	ssyncset.done $0x0  }
0x8c: {  	[sflag:s14] =	ssyncadd.s32 $0xFFFFC000  }
0x8d: {  	_ =	swait.ge [sflag:s15], $0x4000  }
0x8e: {  	[sflag:s15] =	ssyncset.done $0x0  }
0x8f: {  	[sflag:s15] =	ssyncadd.s32 $0xFFFFC000  }
0x90: {  	[tilespmem:s19], [sflag:$0x2] =	stream.indirect.gather [hbm4b:s4+s17], $0x80, s21, s17, $0xb8;
	[tilespmem:$0x1F000] =	vst v63  }
0x91: {  	_ = 	snop  }
0x92: {  	[spmem:s2] =	stream.indirect.scatter.add.f32 [tilespmem:s18], [sflag:$0x3], $0x80, s22, s17, $0xb8;
	[tilespmem:$0x1F000] =	vst v63  }
0x93: {  	_ =	swait.ge [sflag:s14], $0x4000  }
0x94: {  	[sflag:s14] =	ssyncset.done $0x0  }
0x95: {  	[sflag:s14] =	ssyncadd.s32 $0xFFFFC000  }
0x96: {  	_ =	swait.ge [sflag:s20], $0x4000  }
0x97: {  	[sflag:s20] =	ssyncset.done $0x0  }
0x98: {  	[sflag:s20] =	ssyncadd.s32 $0xFFFFC000  }
0x99: {  	[tilespmem:s18], [sflag:$0x1] =	stream.indirect.gather [hbm4b:s4+s17], $0x80, s21, s17, $0xb8;
	[tilespmem:$0x1F000] =	vst v63  }
0x9a: {  	_ = 	snop  }
0x9b: {  	[spmem:s2] =	stream.indirect.scatter.add.f32 [tilespmem:s19], [sflag:$0x3], $0x80, s23, s17, $0xb8;
	[tilespmem:$0x1F000] =	vst v63  }
0x9c: {  	_ =	swait.ge [sflag:s14], $0x4000  }
0x9d: {  	[sflag:s14] =	ssyncset.done $0x0  }
0x9e: {  	[sflag:s14] =	ssyncadd.s32 $0xFFFFC000  }
0x9f: {  	_ =	swait.ge [sflag:s15], $0x4000  }
0xa0: {  	s24 =	sadd.s32 $0x1, s24;
	[sflag:s15] =	ssyncset.done $0x0  }
0xa1: {  	p0 =	sne.s32 s24, s8;
	[sflag:s15] =	ssyncadd.s32 $0xFFFFC000  }
.Ltmp2:
0xa2: {  	[bflag:$0x0] =	sbarrier.arrive $0xFFFF;
	(pc) =	sbr.rel @p0 .LBB2_1-.Ltmp2, $4  }
0xa3: {  	[hbm:s7], [sflag:s6] =	dma.local [spmem:s13], $0x2800  }
0xa4: {  	_ =	swait.ge [sflag:s14], $0x2800  }
0xa5: {  	[sflag:s14] =	ssyncset.done $0x0  }
0xa6: {  	[sflag:s14] =	ssyncadd.s32 $0xFFFFD800  }
0xa7: {  	_ =	sfence.sel $0x180000  }
0xa8: {  	[bflag:$0x0] =	sbarrier.arrive $0xFFFF  }
0xa9: {  	p0 =	sne.s32 s0, $0x0;
	_ =	strace $0x9000004A  }
0xaa: {  	s0 =	sadd.s32 @!p0 $0x100000, s1;
	[bflag:$0x2] =	sbarrier.arrive $0xFFFF  }
0xab: {  	[sflag:s0] =	ssyncadd.tile.s32 @!p0 $0x1;
	_ =	shalt  }
.Lfunc_end2:
_tile_overlayer_lowered:
.L_overlay_start_2:
0xac: {  	(tag) =	ssettag $0x2  }
0xad: {  	s0 =	rddreg [dreg:$0x0];
	s2 =	stileid.u32  }
0xae: {  	s1 =	rddreg [dreg:$0x1];
	p0 =	sne.s32 s2, $0x0  }
0xaf: {  	s3 =	rddreg [dreg:$0x2];
	[bflag:$0x3] =	sbarrier.arrive $0xFFFF;
	s2 =	simm.s32 @!p0 $0x1C03  }
0xb0: {  	[timem:s3], [sflag:s2] =	dma.local @!p0 [hbm:s0], s1  }
0xb1: {  	s0 =	simm.s32 @!p0 $0x3  }
0xb2: {  	_ =	swait.ge @!p0 [sflag:s0], s1  }
0xb3: {  	s1 =	ssub.s32 @!p0 $0x0, s1;
	[sflag:s0] =	ssyncset.done @!p0 $0x0  }
0xb4: {  	[sflag:s0] =	ssyncadd.s32 @!p0 s1  }
0xb5: {  	[bflag:$0x3] =	sbarrier.arrive $0xFFFF  }
0xb6: {  	_ =	shalt  }

// kernel: kernel.16.cloned.1.call-start
scs
__scs_entry_jumppad:
0x0: {  	(pc) =	sbr.rel $0x88, $3  }
0x1: {  	(tag) =	ssettag $0x0;
	lr =	simm.s32 $0x1  }
0x2: {  	[smem:$0x3F97] =	sst lr;
	_ =	strace $0xD0000000  }
0x3: {  	_ = 	snop  }
0x4: {  	_ = 	snop  }
0x5: {  	_ = 	snop  }
0x6: {  	_ = 	snop  }
0x7: {  	_ = 	snop  }
__scs_overlays_trampoline_lowered:
0x8: {  	[smem:$0x3FA6] =	sst s0  }
0x9: {  	[smem:$0x3FA7] =	sst s1  }
0xa: {  	[smem:$0x3FA8] =	sst s2  }
0xb: {  	[smem:$0x3FA9] =	sst s3  }
0xc: {  	[smem:$0x3FAA] =	sst s4  }
0xd: {  	[smem:$0x3FAB] =	sst s5  }
0xe: {  	[smem:$0x3FAC] =	sst s6  }
0xf: {  	[smem:$0x3FAD] =	sst s7  }
0x10: {  	[smem:$0x3FAE] =	sst s8  }
0x11: {  	[smem:$0x3FAF] =	sst s9;
	s0 =	simm.s32 @!p0 $0x0  }
0x12: {  	s1 =	sld [smem:$0x3F95];
	s0 =	simm.s32 @p0 $0x1  }
0x13: {  	[smem:$0x3FB0] =	sst s0;
	s0 =	simm.s32 @!p1 $0x0  }
0x14: {  	s2 =	sld [smem:$0x3F94];
	s0 =	simm.s32 @p1 $0x1  }
0x15: {  	[smem:$0x3FB1] =	sst s0;
	s0 =	simm.s32 @!p2 $0x0  }
0x16: {  	s3 =	sld [smem:$0x3FDB];
	s0 =	simm.s32 @p2 $0x1  }
0x17: {  	s4 =	simm.s32 $0x1BF5;
	[smem:$0x3FB3] =	sst s0  }
0x18: {  	s0 =	sld [smem:$0x3F96];
	_ =	swait.ge [sflag:s4], $0x0  }
0x19: {  	s7 =	sld [smem:$0x3F97]  }
0x1a: {  	s8 =	sadd.s32 $0xFFFFE003, lr  }
0x1b: {  	s9 =	sadd.s32 $0xFFFFFEF7, lr;
	s5 =	simm.s32 $0xFFFFFFFF;
	p2 =	slt.u32 s8, $0xFFFFF086  }
0x1c: {  	p1 =	slt.u32 s9, $0xF7A;
	s5 =	simm.s32 @!p2 $0x0  }
0x1d: {  	s5 =	simm.s32 @p1 $0x1;
	p0 =	seq.s32 s7, s2  }
0x1e: {  	s7 =	smul.u32 @!p0 $0xF7A, s2;
	p2 =	seq.s32 @!p0 s5, $0x0  }
0x1f: {  	s9 =	smul.u32 $0xF7A, s1;
	s8 =	simm.s32 @!p0 $0x1BF5;
	p2 =	por !p2, p0  }
0x20: {  	[sflag:s8] =	ssyncset.s32 @!p0 $0xFFFFF086;
	s6 =	sadd.s32 @!p0 s3, s7;
	s7 =	simm.s32 @!p0 $0x108  }
0x21: {  	s3 =	sadd.s32 s3, s9;
	s6 =	sadd.s32 @!p0 $0x88, s6;
	s7 =	simm.s32 @p2 $0x1082  }
0x22: {  	[simem:s7], [sflag:s8] =	dma.local @!p0 [hbm:s6], $0xF7A  }
0x23: {  	s9 =	sor.u32 $0xD0000000, s2;
	s6 =	simm.s32 $0x108;
	_ =	swait.ge @!p0 [sflag:s8], $0x0  }
0x24: {  	s3 =	sadd.s32 $0x88, s3;
	s6 =	simm.s32 @!p1 $0x1082;
	[sflag:s4] =	ssyncset.s32 $0xFFFFF086  }
0x25: {  	[simem:s6], [sflag:s4] =	dma.local [hbm:s3], $0xF7A  }
0x26: {  	[smem:$0x3F97] =	sst s1;
	(tag) =	ssettag s2;
	_ =	strace s9  }
0x27: {  	s1 =	sld [smem:$0x3FA7]  }
0x28: {  	s2 =	sld [smem:$0x3FA8]  }
0x29: {  	s4 =	sld [smem:$0x3FAA]  }
0x2a: {  	p0 =	seq.s32 s5, $0x0;
	s5 =	sld [smem:$0x3FAB]  }
0x2b: {  	s6 =	sld [smem:$0x3FAC]  }
0x2c: {  	s7 =	sld [smem:$0x3FAD]  }
0x2d: {  	s3 =	simm.s32 $0x108;
	s8 =	sld [smem:$0x3FAE]  }
0x2e: {  	s3 =	simm.s32 @!p0 $0x1082;
	s9 =	sld [smem:$0x3FAF]  }
0x2f: {  	lr =	sadd.s32 s0, s3;
	s0 =	sld [smem:$0x3FA6]  }
0x30: {  	s3 =	sld [smem:$0x3FA9]  }
0x31: {  	[smem:$0x3FB2] =	sst s10  }
0x32: {  	s10 =	sld [smem:$0x3FB0];
	_ =	sdelay $0x3  }
0x33: {  	p0 =	seq.s32 s10, $0x1;
	s10 =	sld [smem:$0x3FB2];
	_ =	sdelay $0x3  }
0x34: {  	[smem:$0x3FB2] =	sst s10  }
0x35: {  	s10 =	sld [smem:$0x3FB1];
	_ =	sdelay $0x3  }
0x36: {  	p1 =	seq.s32 s10, $0x1;
	s10 =	sld [smem:$0x3FB2];
	_ =	sdelay $0x3  }
0x37: {  	[smem:$0x3FB2] =	sst s10  }
0x38: {  	s10 =	sld [smem:$0x3FB3]  }
0x39: {  	_ = 	snop;
	(pc) =	sbr.ind lr, $3  }
0x3a: {  	_ = 	snop  }
0x3b: {  	_ = 	snop  }
0x3c: {  	p2 =	seq.s32 s10, $0x1;
	s10 =	sld [smem:$0x3FB2]  }
0x3d: {  	_ =	shalt  }
0x3e: {  	_ =	shalt  }
0x3f: {  	_ =	shalt  }
0x40: {  	_ =	shalt  }
0x41: {  	_ =	shalt  }
0x42: {  	_ =	shalt  }
0x43: {  	_ =	shalt  }
0x44: {  	_ =	shalt  }
0x45: {  	_ =	shalt  }
0x46: {  	_ =	shalt  }
0x47: {  	_ =	shalt  }
0x48: {  	_ =	shalt  }
0x49: {  	_ =	shalt  }
0x4a: {  	_ =	shalt  }
0x4b: {  	_ =	shalt  }
0x4c: {  	_ =	shalt  }
0x4d: {  	_ =	shalt  }
0x4e: {  	_ =	shalt  }
0x4f: {  	_ =	shalt  }
0x50: {  	_ =	shalt  }
0x51: {  	_ =	shalt  }
0x52: {  	_ =	shalt  }
0x53: {  	_ =	shalt  }
0x54: {  	_ =	shalt  }
0x55: {  	_ =	shalt  }
0x56: {  	_ =	shalt  }
0x57: {  	_ =	shalt  }
0x58: {  	_ =	shalt  }
0x59: {  	_ =	shalt  }
0x5a: {  	_ =	shalt  }
0x5b: {  	_ =	shalt  }
0x5c: {  	_ =	shalt  }
0x5d: {  	_ =	shalt  }
0x5e: {  	_ =	shalt  }
0x5f: {  	_ =	shalt  }
0x60: {  	_ =	shalt  }
0x61: {  	_ =	shalt  }
0x62: {  	_ =	shalt  }
0x63: {  	_ =	shalt  }
0x64: {  	_ =	shalt  }
0x65: {  	_ =	shalt  }
0x66: {  	_ =	shalt  }
0x67: {  	_ =	shalt  }
0x68: {  	_ =	shalt  }
0x69: {  	_ =	shalt  }
0x6a: {  	_ =	shalt  }
0x6b: {  	_ =	shalt  }
0x6c: {  	_ =	shalt  }
0x6d: {  	_ =	shalt  }
0x6e: {  	_ =	shalt  }
0x6f: {  	_ =	shalt  }
0x70: {  	_ =	shalt  }
0x71: {  	_ =	shalt  }
0x72: {  	_ =	shalt  }
0x73: {  	_ =	shalt  }
0x74: {  	_ =	shalt  }
0x75: {  	_ =	shalt  }
0x76: {  	_ =	shalt  }
0x77: {  	_ =	shalt  }
0x78: {  	_ =	shalt  }
0x79: {  	_ =	shalt  }
0x7a: {  	_ =	shalt  }
0x7b: {  	_ =	shalt  }
0x7c: {  	_ =	shalt  }
0x7d: {  	_ =	shalt  }
0x7e: {  	_ =	shalt  }
0x7f: {  	_ =	shalt  }
0x80: {  	_ =	shalt  }
0x81: {  	_ =	shalt  }
0x82: {  	_ =	shalt  }
0x83: {  	_ =	shalt  }
0x84: {  	_ =	shalt  }
0x85: {  	_ =	shalt  }
0x86: {  	_ =	shalt  }
0x87: {  	_ =	shalt  }
.Lfunc_end0:
.L_simem_size_0:
called_computation.2_lowered:
.L_overlay_start_0:
0x88: {  	s2 =	sld [smem:$0x3FD9]  }
0x89: {  	s3 =	sld [smem:$0x3FFE];
	_ =	sdelay $0x1  }
0x8a: {  	s1 =	srdreg.scid  }
0x8b: {  	s0 =	sand.u32 $0x1, s1  }
0x8c: {  	s17 =	sshll.u32 s0, $0xA;
	s2 =	sadd.s32 s3, s2  }
0x8d: {  	s2 =	sadd.s32 s2, s17  }
0x8e: {  	[smem:$0x3FBE] =	sst s2  }
0x8f: {  	_ = 	snop  }
0x90: {  	s2 =	sld [smem:$0x3FD0];
	(tm) =	ssettm $0x1  }
0x91: {  	s18 =	sld [smem:$0x3FFB];
	_ =	sdelay $0x3  }
0x92: {  	_ =	strace s18  }
0x93: {  	s3 =	sld [smem:$0x3FFC];
	_ =	sdelay $0x3  }
0x94: {  	_ =	strace s3  }
0x95: {  	s3 =	sld [smem:$0x3FFD];
	_ =	sdelay $0x3  }
0x96: {  	_ =	strace s3  }
0x97: {  	_ =	strace $0x8FFFFFFF  }
0x98: {  	s19 =	sld [smem:$0x3FDB];
	_ =	sdelay $0x1  }
0x99: {  	s4 =	simm.s32 $_scs_section_size  }
0x9a: {  	s5 =	simm.s32 $_size__tile_overlayer_lowered;
	s6 =	simm.s32 $_tile_overlayer_lowered  }
0x9b: {  	s22 =	simm.s32 $0x1BFF;
	s21 =	sshll.u32 s6, $0x1;
	s3 =	sadd.s32 s4, s19  }
0x9c: {  	s7 =	simm.s32 $0x0;
	s20 =	sshll.u32 s5, $0x1;
	s5 =	sadd.s32 s21, s3  }
0x9d: {  	[timem:s7], [sflag:s22] =	dma.local [hbm:s5], s20  }
0x9e: {  	_ =	swait.ge [sflag:s22], s20  }
0x9f: {  	s4 =	ssub.s32 $0x0, s20;
	[sflag:s22] =	ssyncset.done $0x0  }
0xa0: {  	[sflag:s22] =	ssyncadd.s32 s4;
	_ =	sdelay $0x1  }
0xa1: {  	s23 =	simm.s32 $0x1B8B  }
0xa2: {  	_ =	swait.ge [sflag:s23], $0x1  }
0xa3: {  	[sflag:s23] =	ssyncset.done $0x0  }
0xa4: {  	s25 =	simm.s32 $0x1B8E;
	s24 =	sld [smem:$0x3FFE];
	[sflag:s23] =	ssyncadd.s32 $0xFFFFFFFF  }
0xa5: {  	s26 =	simm.s32 $execute0_lowered;
	[smem:$0x3FD2] =	sst s25  }
0xa6: {  	s5 =	sshll.u32 s26, $0x1;
	_ =	strace $0x8000004C;
	[dreg:$0x1] =	wrdreg $0xFFFFFFFF  }
0xa7: {  	s28 =	simm.s32 $_size_execute0_lowered;
	s3 =	sadd.s32 s3, s5;
	[dreg:$0x0] =	wrdreg $0x0  }
0xa8: {  	s5 =	sshll.u32 s28, $0x1;
	[dreg:$0x2] =	wrdreg s3  }
0xa9: {  	[dreg:$0x3] =	wrdreg s5  }
0xaa: {  	[dreg:$0x4] =	wrdreg $0xC0  }
0xab: {  	_ =	task [dreg:s7], $0x5FFFF  }
0xac: {  	[dreg:$0x1] =	wrdreg $0xFFFFFFFF  }
0xad: {  	[dreg:$0x0] =	wrdreg $0x60  }
0xae: {  	[dreg:$0x2] =	wrdreg s24  }
0xaf: {  	[dreg:$0x3] =	wrdreg s2  }
0xb0: {  	[dreg:$0x4] =	wrdreg $0xB0000  }
0xb1: {  	[dreg:$0x5] =	wrdreg $0x9  }
0xb2: {  	_ =	task.clear_ibuf [dreg:s7], $0x6FFFF;
	_ =	strace $0x9000004C  }
0xb3: {  	s29 =	simm.s32 $0x9;
	_ =	strace $0x8000004E  }
0xb4: {  	_ =	swait.ge [sflag:s29], $0x1  }
0xb5: {  	[sflag:s29] =	ssyncadd.s32 $0xFFFFFFFF  }
0xb6: {  	_ =	strace $0x9000004E  }
0xb7: {  	_ =	sfence  }
0xb8: {  	s30 =	sld [smem:$0x0];
	_ =	sdelay $0x2  }
0xb9: {  	s31 =	sshll.u32 s1, $0xD;
	s1 =	sshrl.u32 s1, $0x2  }
0xba: {  	s3 =	sand.u32 $0x4000, s31;
	s1 =	sadd.s32 s1, s30  }
0xbb: {  	s0 =	sor.u32 s3, s0;
	s1 =	sshll.u32 s1, $0x11  }
0xbc: {  	s0 =	sor.u32 s1, s0  }
0xbd: {  	s0 =	sadd.s32 $0x8F2B, s0  }
0xbe: {  	[sflag:s0] =	ssyncadd.remote.s32 $0x1  }
0xbf: {  	_ =	sfence.sel $0xFFFF  }
0xc0: {  	[dreg:$0x0] =	wrdreg $0xFFFFFFFF;
	(pc) =	sbr.abs _section_cstart, $3  }
0xc1: {  	[dreg:$0x1] =	wrdreg $0xFFFFFFFF  }
0xc2: {  	_ =	task.clear_ibuf [dreg:s7], $0x2FFFF;
	_ =	strace $0x9FFFFFFF  }
0xc3: {  	(tm) =	ssettm $0x7FFFFFFF  }
tec
execute0_lowered:
.L_overlay_start_1:
0x0: {  	(tag) =	ssettag $0x1  }
0x1: {  	s6 =	rddreg [dreg:$0x0]  }
0x2: {  	s9 =	rddreg [dreg:$0x1]  }
0x3: {  	s0 =	stileid.u32;
	s1 =	srdreg.scid  }
0x4: {  	s2 =	rddreg [dreg:$0x2];
	s3 =	simm.s32 $0x0;
	s15 =	simm.s32 $0x1  }
0x5: {  	s16 =	simm.s32 $0x1800;
	s17 =	simm.s32 $0x80;
	s18 =	simm.s32 $0x3000  }
0x6: {  	s19 =	simm.s32 $0x7000;
	s20 =	simm.s32 $0x2;
	s21 =	simm.s32 $0x1480  }
0x7: {  	s22 =	simm.s32 $0x2C00;
	s23 =	simm.s32 $0x2C80;
	s7 =	smul.u32 $0x3000, s0  }
0x8: {  	s5 =	sand.u32 $0x1, s1;
	s1 =	rddreg [dreg:$0x3];
	s11 =	smul.u32 $0x14000, s0  }
0x9: {  	s24 =	simm.s32 $0x0;
	[smem:$0x7FF] =	sst s3;
	s26 =	smul.u32 $0x50000, s0  }
0xa: {  	s4 =	sadd.s32 $0x61C00, s6;
	s29 =	sshll.u32 s0, $0x6;
	s8 =	smul.u32 $0x140000, s5  }
0xb: {  	_ =	strace $0x8000004D;
	s25 =	ssub.s32 $0x2, s5;
	s14 =	smul.u32 $0x30000, s5  }
0xc: {  	s5 =	sadd.s32 $0x8C00, s6;
	s10 =	sshrl.u32 s7, $0x3;
	s13 =	sshrl.u32 s25, $0x1  }
0xd: {  	s28 =	sshrl.u32 s26, $0x2;
	s12 =	sadd.s32 s10, s6;
	s8 =	sadd.s32 s11, s8  }
0xe: {  	s10 =	ssub.s32 s25, s13;
	s7 =	sadd.s32 s14, s7;
	s30 =	sadd.s32 s28, s2  }
0xf: {  	s14 =	simm.s32 $0x3;
	s8 =	sshrl.u32 s8, $0x3;
	s31 =	sshrl.u32 s7, $0x3  }
0x10: {  	s13 =	sshrl.u32 s30, $0x3;
	s8 =	sadd.s32 s8, s6;
	s6 =	sor.u32 $0x1C03, s29  }
0x11: {  	s9 =	sadd.s32 s9, s31;
	s7 =	sadd.s32 $0xB1C00, s8;
	s8 =	smax.u32 s10, $0x1  }
0x12: {  	s10 =	sadd.s32 $0x5BC00, s12;
	s11 =	sadd.s32 $0x300, s9;
	s12 =	sadd.s32 $0x5BF00, s12  }
.LBB2_1:
0x13: {  	[spmem:s13], [sflag:s6] =	dma.local [hbm:s5], $0x2800  }
0x14: {  	_ =	swait.ge [sflag:s14], $0x2800  }
0x15: {  	[sflag:s14] =	ssyncset.done $0x0  }
0x16: {  	[sflag:s14] =	ssyncadd.s32 $0xFFFFD800  }
0x17: {  	[bflag:$0x0] =	sbarrier.arrive $0xFFFF  }
0x18: {  	[tilespmem:s3], [sflag:$0x1] =	stream.linear.gather [hbm4b:s9+s3], $0x1500, $0x38;
	[tilespmem:$0x1F000] =	vst v63  }
0x19: {  	_ =	swait.ge [sflag:s15], $0x1500  }
0x1a: {  	[sflag:s15] =	ssyncset.done $0x0  }
0x1b: {  	[sflag:s15] =	ssyncadd.s32 $0xFFFFEB00  }
0x1c: {  	[tilespmem:s16], [sflag:$0x1] =	stream.linear.gather [hbm4b:s10+s3], $0x1500, $0x38;
	[tilespmem:$0x1F000] =	vst v63  }
0x1d: {  	_ =	swait.ge [sflag:s15], $0x1500  }
0x1e: {  	[sflag:s15] =	ssyncset.done $0x0  }
0x1f: {  	[sflag:s15] =	ssyncadd.s32 $0xFFFFEB00  }
0x20: {  	[tilespmem:s18], [sflag:$0x1] =	stream.indirect.gather [hbm4b:s4+s17], $0x80, s3, s17, $0xb8;
	[tilespmem:$0x1F000] =	vst v63  }
0x21: {  	_ =	swait.ge [sflag:s15], $0x4000  }
0x22: {  	[sflag:s15] =	ssyncset.done $0x0  }
0x23: {  	s25 =	simm.s32 $0x80;
	[sflag:s15] =	ssyncadd.s32 $0xFFFFC000  }
0x24: {  	[tilespmem:s19], [sflag:$0x2] =	stream.indirect.gather [hbm4b:s4+s17], $0x80, s25, s17, $0xb8;
	[tilespmem:$0x1F000] =	vst v63  }
0x25: {  	s29 =	simm.s32 $0x1800  }
0x26: {  	[spmem:s2] =	stream.indirect.scatter.add.f32 [tilespmem:s18], [sflag:$0x3], $0x80, s29, s17, $0xb8;
	[tilespmem:$0x1F000] =	vst v63  }
0x27: {  	_ =	swait.ge [sflag:s14], $0x4000  }
0x28: {  	[sflag:s14] =	ssyncset.done $0x0  }
0x29: {  	[sflag:s14] =	ssyncadd.s32 $0xFFFFC000  }
0x2a: {  	_ =	swait.ge [sflag:s20], $0x4000  }
0x2b: {  	[sflag:s20] =	ssyncset.done $0x0  }
0x2c: {  	s30 =	simm.s32 $0x100;
	[sflag:s20] =	ssyncadd.s32 $0xFFFFC000  }
0x2d: {  	[tilespmem:s18], [sflag:$0x1] =	stream.indirect.gather [hbm4b:s4+s17], $0x80, s30, s17, $0xb8;
	[tilespmem:$0x1F000] =	vst v63  }
0x2e: {  	s31 =	simm.s32 $0x1880  }
0x2f: {  	[spmem:s2] =	stream.indirect.scatter.add.f32 [tilespmem:s19], [sflag:$0x3], $0x80, s31, s17, $0xb8;
	[tilespmem:$0x1F000] =	vst v63  }
0x30: {  	_ =	swait.ge [sflag:s14], $0x4000  }
0x31: {  	s25 =	simm.s32 $0x400;
	[sflag:s14] =	ssyncset.done $0x0  }
.LBB2_2:
0x32: {  	p0 =	sne.s32 s25, $0x4C00  }
0x33: {  	[sflag:s14] =	ssyncadd.s32 $0xFFFFC000;
	s26 =	smov.u32 s25;
	s25 =	sadd.s32 $0x400, s25  }
0x34: {  	_ = 	snop  }
0x35: {  	_ =	swait.ge [sflag:s15], $0x4000  }
0x36: {  	s26 =	sshra.s32 s26, $0x2;
	[sflag:s15] =	ssyncset.done $0x0  }
0x37: {  	s28 =	sadd.s32 $0x80, s26;
	[sflag:s15] =	ssyncadd.s32 $0xFFFFC000  }
0x38: {  	[tilespmem:s19], [sflag:$0x2] =	stream.indirect.gather [hbm4b:s4+s17], $0x80, s28, s17, $0xb8;
	[tilespmem:$0x1F000] =	vst v63  }
0x39: {  	s28 =	sadd.s32 $0x1800, s26  }
0x3a: {  	[spmem:s2] =	stream.indirect.scatter.add.f32 [tilespmem:s18], [sflag:$0x3], $0x80, s28, s17, $0xb8;
	[tilespmem:$0x1F000] =	vst v63  }
0x3b: {  	_ =	swait.ge [sflag:s14], $0x4000  }
0x3c: {  	[sflag:s14] =	ssyncset.done $0x0  }
0x3d: {  	[sflag:s14] =	ssyncadd.s32 $0xFFFFC000  }
0x3e: {  	_ =	swait.ge [sflag:s20], $0x4000  }
0x3f: {  	[sflag:s20] =	ssyncset.done $0x0  }
0x40: {  	s28 =	sadd.s32 $0x100, s26;
	[sflag:s20] =	ssyncadd.s32 $0xFFFFC000  }
0x41: {  	[tilespmem:s18], [sflag:$0x1] =	stream.indirect.gather [hbm4b:s4+s17], $0x80, s28, s17, $0xb8;
	[tilespmem:$0x1F000] =	vst v63  }
.Ltmp0:
0x42: {  	_ = 	snop;
	(pc) =	sbr.rel @p0 .LBB2_2-.Ltmp0, $4  }
0x43: {  	s26 =	sadd.s32 $0x1880, s26  }
0x44: {  	[spmem:s2] =	stream.indirect.scatter.add.f32 [tilespmem:s19], [sflag:$0x3], $0x80, s26, s17, $0xb8;
	[tilespmem:$0x1F000] =	vst v63  }
0x45: {  	_ =	swait.ge [sflag:s14], $0x4000  }
0x46: {  	[sflag:s14] =	ssyncset.done $0x0  }
0x47: {  	[sflag:s14] =	ssyncadd.s32 $0xFFFFC000  }
0x48: {  	_ =	swait.ge [sflag:s15], $0x4000  }
0x49: {  	[sflag:s15] =	ssyncset.done $0x0  }
0x4a: {  	[sflag:s15] =	ssyncadd.s32 $0xFFFFC000  }
0x4b: {  	[tilespmem:s19], [sflag:$0x2] =	stream.indirect.gather [hbm4b:s4+s17], $0x80, s21, s17, $0xb8;
	[tilespmem:$0x1F000] =	vst v63  }
0x4c: {  	_ = 	snop  }
0x4d: {  	[spmem:s2] =	stream.indirect.scatter.add.f32 [tilespmem:s18], [sflag:$0x3], $0x80, s22, s17, $0xb8;
	[tilespmem:$0x1F000] =	vst v63  }
0x4e: {  	_ =	swait.ge [sflag:s14], $0x4000  }
0x4f: {  	[sflag:s14] =	ssyncset.done $0x0  }
0x50: {  	[sflag:s14] =	ssyncadd.s32 $0xFFFFC000  }
0x51: {  	_ =	swait.ge [sflag:s20], $0x4000  }
0x52: {  	[sflag:s20] =	ssyncset.done $0x0  }
0x53: {  	[sflag:s20] =	ssyncadd.s32 $0xFFFFC000  }
0x54: {  	[tilespmem:s18], [sflag:$0x1] =	stream.indirect.gather [hbm4b:s4+s17], $0x80, s21, s17, $0xb8;
	[tilespmem:$0x1F000] =	vst v63  }
0x55: {  	_ = 	snop  }
0x56: {  	[spmem:s2] =	stream.indirect.scatter.add.f32 [tilespmem:s19], [sflag:$0x3], $0x80, s23, s17, $0xb8;
	[tilespmem:$0x1F000] =	vst v63  }
0x57: {  	_ =	swait.ge [sflag:s14], $0x4000  }
0x58: {  	[sflag:s14] =	ssyncset.done $0x0  }
0x59: {  	[sflag:s14] =	ssyncadd.s32 $0xFFFFC000  }
0x5a: {  	_ =	swait.ge [sflag:s15], $0x4000  }
0x5b: {  	[sflag:s15] =	ssyncset.done $0x0  }
0x5c: {  	s25 =	simm.s32 $0x0;
	[sflag:s15] =	ssyncadd.s32 $0xFFFFC000  }
0x5d: {  	[tilespmem:s25], [sflag:$0x1] =	stream.linear.gather [hbm4b:s11+s25], $0x1500, $0x38;
	[tilespmem:$0x1F000] =	vst v63  }
0x5e: {  	_ =	swait.ge [sflag:s15], $0x1500  }
0x5f: {  	[sflag:s15] =	ssyncset.done $0x0  }
0x60: {  	[sflag:s15] =	ssyncadd.s32 $0xFFFFEB00  }
0x61: {  	[tilespmem:s16], [sflag:$0x1] =	stream.linear.gather [hbm4b:s12+s25], $0x1500, $0x38;
	[tilespmem:$0x1F000] =	vst v63  }
0x62: {  	_ =	swait.ge [sflag:s15], $0x1500  }
0x63: {  	[sflag:s15] =	ssyncset.done $0x0  }
0x64: {  	[sflag:s15] =	ssyncadd.s32 $0xFFFFEB00  }
0x65: {  	[tilespmem:s18], [sflag:$0x1] =	stream.indirect.gather [hbm4b:s4+s17], $0x80, s25, s17, $0xb8;
	[tilespmem:$0x1F000] =	vst v63  }
0x66: {  	_ =	swait.ge [sflag:s15], $0x4000  }
0x67: {  	[sflag:s15] =	ssyncset.done $0x0  }
0x68: {  	s28 =	simm.s32 $0x80;
	[sflag:s15] =	ssyncadd.s32 $0xFFFFC000  }
0x69: {  	[tilespmem:s19], [sflag:$0x2] =	stream.indirect.gather [hbm4b:s4+s17], $0x80, s28, s17, $0xb8;
	[tilespmem:$0x1F000] =	vst v63  }
0x6a: {  	s29 =	simm.s32 $0x1800  }
0x6b: {  	[spmem:s2] =	stream.indirect.scatter.add.f32 [tilespmem:s18], [sflag:$0x3], $0x80, s29, s17, $0xb8;
	[tilespmem:$0x1F000] =	vst v63  }
0x6c: {  	_ =	swait.ge [sflag:s14], $0x4000  }
0x6d: {  	[sflag:s14] =	ssyncset.done $0x0  }
0x6e: {  	[sflag:s14] =	ssyncadd.s32 $0xFFFFC000  }
0x6f: {  	_ =	swait.ge [sflag:s20], $0x4000  }
0x70: {  	[sflag:s20] =	ssyncset.done $0x0  }
0x71: {  	s30 =	simm.s32 $0x100;
	[sflag:s20] =	ssyncadd.s32 $0xFFFFC000  }
0x72: {  	[tilespmem:s18], [sflag:$0x1] =	stream.indirect.gather [hbm4b:s4+s17], $0x80, s30, s17, $0xb8;
	[tilespmem:$0x1F000] =	vst v63  }
0x73: {  	s31 =	simm.s32 $0x1880  }
0x74: {  	[spmem:s2] =	stream.indirect.scatter.add.f32 [tilespmem:s19], [sflag:$0x3], $0x80, s31, s17, $0xb8;
	[tilespmem:$0x1F000] =	vst v63  }
0x75: {  	_ =	swait.ge [sflag:s14], $0x4000  }
0x76: {  	s25 =	simm.s32 $0x400;
	[sflag:s14] =	ssyncset.done $0x0  }
.LBB2_4:
0x77: {  	p0 =	sne.s32 s25, $0x4C00  }
0x78: {  	[sflag:s14] =	ssyncadd.s32 $0xFFFFC000;
	s26 =	smov.u32 s25;
	s25 =	sadd.s32 $0x400, s25  }
0x79: {  	_ = 	snop  }
0x7a: {  	_ =	swait.ge [sflag:s15], $0x4000  }
0x7b: {  	s26 =	sshra.s32 s26, $0x2;
	[sflag:s15] =	ssyncset.done $0x0  }
0x7c: {  	s28 =	sadd.s32 $0x80, s26;
	[sflag:s15] =	ssyncadd.s32 $0xFFFFC000  }
0x7d: {  	[tilespmem:s19], [sflag:$0x2] =	stream.indirect.gather [hbm4b:s4+s17], $0x80, s28, s17, $0xb8;
	[tilespmem:$0x1F000] =	vst v63  }
0x7e: {  	s28 =	sadd.s32 $0x1800, s26  }
0x7f: {  	[spmem:s2] =	stream.indirect.scatter.add.f32 [tilespmem:s18], [sflag:$0x3], $0x80, s28, s17, $0xb8;
	[tilespmem:$0x1F000] =	vst v63  }
0x80: {  	_ =	swait.ge [sflag:s14], $0x4000  }
0x81: {  	[sflag:s14] =	ssyncset.done $0x0  }
0x82: {  	[sflag:s14] =	ssyncadd.s32 $0xFFFFC000  }
0x83: {  	_ =	swait.ge [sflag:s20], $0x4000  }
0x84: {  	[sflag:s20] =	ssyncset.done $0x0  }
0x85: {  	s28 =	sadd.s32 $0x100, s26;
	[sflag:s20] =	ssyncadd.s32 $0xFFFFC000  }
0x86: {  	[tilespmem:s18], [sflag:$0x1] =	stream.indirect.gather [hbm4b:s4+s17], $0x80, s28, s17, $0xb8;
	[tilespmem:$0x1F000] =	vst v63  }
.Ltmp1:
0x87: {  	_ = 	snop;
	(pc) =	sbr.rel @p0 .LBB2_4-.Ltmp1, $4  }
0x88: {  	s26 =	sadd.s32 $0x1880, s26  }
0x89: {  	[spmem:s2] =	stream.indirect.scatter.add.f32 [tilespmem:s19], [sflag:$0x3], $0x80, s26, s17, $0xb8;
	[tilespmem:$0x1F000] =	vst v63  }
0x8a: {  	_ =	swait.ge [sflag:s14], $0x4000  }
0x8b: {  	[sflag:s14] =	ssyncset.done $0x0  }
0x8c: {  	[sflag:s14] =	ssyncadd.s32 $0xFFFFC000  }
0x8d: {  	_ =	swait.ge [sflag:s15], $0x4000  }
0x8e: {  	[sflag:s15] =	ssyncset.done $0x0  }
0x8f: {  	[sflag:s15] =	ssyncadd.s32 $0xFFFFC000  }
0x90: {  	[tilespmem:s19], [sflag:$0x2] =	stream.indirect.gather [hbm4b:s4+s17], $0x80, s21, s17, $0xb8;
	[tilespmem:$0x1F000] =	vst v63  }
0x91: {  	_ = 	snop  }
0x92: {  	[spmem:s2] =	stream.indirect.scatter.add.f32 [tilespmem:s18], [sflag:$0x3], $0x80, s22, s17, $0xb8;
	[tilespmem:$0x1F000] =	vst v63  }
0x93: {  	_ =	swait.ge [sflag:s14], $0x4000  }
0x94: {  	[sflag:s14] =	ssyncset.done $0x0  }
0x95: {  	[sflag:s14] =	ssyncadd.s32 $0xFFFFC000  }
0x96: {  	_ =	swait.ge [sflag:s20], $0x4000  }
0x97: {  	[sflag:s20] =	ssyncset.done $0x0  }
0x98: {  	[sflag:s20] =	ssyncadd.s32 $0xFFFFC000  }
0x99: {  	[tilespmem:s18], [sflag:$0x1] =	stream.indirect.gather [hbm4b:s4+s17], $0x80, s21, s17, $0xb8;
	[tilespmem:$0x1F000] =	vst v63  }
0x9a: {  	_ = 	snop  }
0x9b: {  	[spmem:s2] =	stream.indirect.scatter.add.f32 [tilespmem:s19], [sflag:$0x3], $0x80, s23, s17, $0xb8;
	[tilespmem:$0x1F000] =	vst v63  }
0x9c: {  	_ =	swait.ge [sflag:s14], $0x4000  }
0x9d: {  	[sflag:s14] =	ssyncset.done $0x0  }
0x9e: {  	[sflag:s14] =	ssyncadd.s32 $0xFFFFC000  }
0x9f: {  	_ =	swait.ge [sflag:s15], $0x4000  }
0xa0: {  	s24 =	sadd.s32 $0x1, s24;
	[sflag:s15] =	ssyncset.done $0x0  }
0xa1: {  	p0 =	sne.s32 s24, s8;
	[sflag:s15] =	ssyncadd.s32 $0xFFFFC000  }
.Ltmp2:
0xa2: {  	[bflag:$0x0] =	sbarrier.arrive $0xFFFF;
	(pc) =	sbr.rel @p0 .LBB2_1-.Ltmp2, $4  }
0xa3: {  	[hbm:s7], [sflag:s6] =	dma.local [spmem:s13], $0x2800  }
0xa4: {  	_ =	swait.ge [sflag:s14], $0x2800  }
0xa5: {  	[sflag:s14] =	ssyncset.done $0x0  }
0xa6: {  	[sflag:s14] =	ssyncadd.s32 $0xFFFFD800  }
0xa7: {  	_ =	sfence.sel $0x180000  }
0xa8: {  	[bflag:$0x0] =	sbarrier.arrive $0xFFFF  }
0xa9: {  	p0 =	sne.s32 s0, $0x0;
	_ =	strace $0x9000004D  }
0xaa: {  	s0 =	sadd.s32 @!p0 $0x100000, s1;
	[bflag:$0x2] =	sbarrier.arrive $0xFFFF  }
0xab: {  	[sflag:s0] =	ssyncadd.tile.s32 @!p0 $0x1;
	_ =	shalt  }
.Lfunc_end2:
_tile_overlayer_lowered:
.L_overlay_start_2:
0xac: {  	(tag) =	ssettag $0x2  }
0xad: {  	s0 =	rddreg [dreg:$0x0];
	s2 =	stileid.u32  }
0xae: {  	s1 =	rddreg [dreg:$0x1];
	p0 =	sne.s32 s2, $0x0  }
0xaf: {  	s3 =	rddreg [dreg:$0x2];
	[bflag:$0x3] =	sbarrier.arrive $0xFFFF;
	s2 =	simm.s32 @!p0 $0x1C03  }
0xb0: {  	[timem:s3], [sflag:s2] =	dma.local @!p0 [hbm:s0], s1  }
0xb1: {  	s0 =	simm.s32 @!p0 $0x3  }
0xb2: {  	_ =	swait.ge @!p0 [sflag:s0], s1  }
0xb3: {  	s1 =	ssub.s32 @!p0 $0x0, s1;
	[sflag:s0] =	ssyncset.done @!p0 $0x0  }
0xb4: {  	[sflag:s0] =	ssyncadd.s32 @!p0 s1  }
0xb5: {  	[bflag:$0x3] =	sbarrier.arrive $0xFFFF  }
0xb6: {  	_ =	shalt  }

// kernel: kernel.19.cloned.1.call-start
scs
__scs_entry_jumppad:
0x0: {  	(pc) =	sbr.rel $0x88, $3  }
0x1: {  	(tag) =	ssettag $0x0;
	lr =	simm.s32 $0x1  }
0x2: {  	[smem:$0x3F97] =	sst lr;
	_ =	strace $0xD0000000  }
0x3: {  	_ = 	snop  }
0x4: {  	_ = 	snop  }
0x5: {  	_ = 	snop  }
0x6: {  	_ = 	snop  }
0x7: {  	_ = 	snop  }
__scs_overlays_trampoline_lowered:
0x8: {  	[smem:$0x3FA6] =	sst s0  }
0x9: {  	[smem:$0x3FA7] =	sst s1  }
0xa: {  	[smem:$0x3FA8] =	sst s2  }
0xb: {  	[smem:$0x3FA9] =	sst s3  }
0xc: {  	[smem:$0x3FAA] =	sst s4  }
0xd: {  	[smem:$0x3FAB] =	sst s5  }
0xe: {  	[smem:$0x3FAC] =	sst s6  }
0xf: {  	[smem:$0x3FAD] =	sst s7  }
0x10: {  	[smem:$0x3FAE] =	sst s8  }
0x11: {  	[smem:$0x3FAF] =	sst s9;
	s0 =	simm.s32 @!p0 $0x0  }
0x12: {  	s1 =	sld [smem:$0x3F95];
	s0 =	simm.s32 @p0 $0x1  }
0x13: {  	[smem:$0x3FB0] =	sst s0;
	s0 =	simm.s32 @!p1 $0x0  }
0x14: {  	s2 =	sld [smem:$0x3F94];
	s0 =	simm.s32 @p1 $0x1  }
0x15: {  	[smem:$0x3FB1] =	sst s0;
	s0 =	simm.s32 @!p2 $0x0  }
0x16: {  	s3 =	sld [smem:$0x3FDB];
	s0 =	simm.s32 @p2 $0x1  }
0x17: {  	s4 =	simm.s32 $0x1BF5;
	[smem:$0x3FB3] =	sst s0  }
0x18: {  	s0 =	sld [smem:$0x3F96];
	_ =	swait.ge [sflag:s4], $0x0  }
0x19: {  	s7 =	sld [smem:$0x3F97]  }
0x1a: {  	s8 =	sadd.s32 $0xFFFFE003, lr  }
0x1b: {  	s9 =	sadd.s32 $0xFFFFFEF7, lr;
	s5 =	simm.s32 $0xFFFFFFFF;
	p2 =	slt.u32 s8, $0xFFFFF086  }
0x1c: {  	p1 =	slt.u32 s9, $0xF7A;
	s5 =	simm.s32 @!p2 $0x0  }
0x1d: {  	s5 =	simm.s32 @p1 $0x1;
	p0 =	seq.s32 s7, s2  }
0x1e: {  	s7 =	smul.u32 @!p0 $0xF7A, s2;
	p2 =	seq.s32 @!p0 s5, $0x0  }
0x1f: {  	s9 =	smul.u32 $0xF7A, s1;
	s8 =	simm.s32 @!p0 $0x1BF5;
	p2 =	por !p2, p0  }
0x20: {  	[sflag:s8] =	ssyncset.s32 @!p0 $0xFFFFF086;
	s6 =	sadd.s32 @!p0 s3, s7;
	s7 =	simm.s32 @!p0 $0x108  }
0x21: {  	s3 =	sadd.s32 s3, s9;
	s6 =	sadd.s32 @!p0 $0x88, s6;
	s7 =	simm.s32 @p2 $0x1082  }
0x22: {  	[simem:s7], [sflag:s8] =	dma.local @!p0 [hbm:s6], $0xF7A  }
0x23: {  	s9 =	sor.u32 $0xD0000000, s2;
	s6 =	simm.s32 $0x108;
	_ =	swait.ge @!p0 [sflag:s8], $0x0  }
0x24: {  	s3 =	sadd.s32 $0x88, s3;
	s6 =	simm.s32 @!p1 $0x1082;
	[sflag:s4] =	ssyncset.s32 $0xFFFFF086  }
0x25: {  	[simem:s6], [sflag:s4] =	dma.local [hbm:s3], $0xF7A  }
0x26: {  	[smem:$0x3F97] =	sst s1;
	(tag) =	ssettag s2;
	_ =	strace s9  }
0x27: {  	s1 =	sld [smem:$0x3FA7]  }
0x28: {  	s2 =	sld [smem:$0x3FA8]  }
0x29: {  	s4 =	sld [smem:$0x3FAA]  }
0x2a: {  	p0 =	seq.s32 s5, $0x0;
	s5 =	sld [smem:$0x3FAB]  }
0x2b: {  	s6 =	sld [smem:$0x3FAC]  }
0x2c: {  	s7 =	sld [smem:$0x3FAD]  }
0x2d: {  	s3 =	simm.s32 $0x108;
	s8 =	sld [smem:$0x3FAE]  }
0x2e: {  	s3 =	simm.s32 @!p0 $0x1082;
	s9 =	sld [smem:$0x3FAF]  }
0x2f: {  	lr =	sadd.s32 s0, s3;
	s0 =	sld [smem:$0x3FA6]  }
0x30: {  	s3 =	sld [smem:$0x3FA9]  }
0x31: {  	[smem:$0x3FB2] =	sst s10  }
0x32: {  	s10 =	sld [smem:$0x3FB0];
	_ =	sdelay $0x3  }
0x33: {  	p0 =	seq.s32 s10, $0x1;
	s10 =	sld [smem:$0x3FB2];
	_ =	sdelay $0x3  }
0x34: {  	[smem:$0x3FB2] =	sst s10  }
0x35: {  	s10 =	sld [smem:$0x3FB1];
	_ =	sdelay $0x3  }
0x36: {  	p1 =	seq.s32 s10, $0x1;
	s10 =	sld [smem:$0x3FB2];
	_ =	sdelay $0x3  }
0x37: {  	[smem:$0x3FB2] =	sst s10  }
0x38: {  	s10 =	sld [smem:$0x3FB3]  }
0x39: {  	_ = 	snop;
	(pc) =	sbr.ind lr, $3  }
0x3a: {  	_ = 	snop  }
0x3b: {  	_ = 	snop  }
0x3c: {  	p2 =	seq.s32 s10, $0x1;
	s10 =	sld [smem:$0x3FB2]  }
0x3d: {  	_ =	shalt  }
0x3e: {  	_ =	shalt  }
0x3f: {  	_ =	shalt  }
0x40: {  	_ =	shalt  }
0x41: {  	_ =	shalt  }
0x42: {  	_ =	shalt  }
0x43: {  	_ =	shalt  }
0x44: {  	_ =	shalt  }
0x45: {  	_ =	shalt  }
0x46: {  	_ =	shalt  }
0x47: {  	_ =	shalt  }
0x48: {  	_ =	shalt  }
0x49: {  	_ =	shalt  }
0x4a: {  	_ =	shalt  }
0x4b: {  	_ =	shalt  }
0x4c: {  	_ =	shalt  }
0x4d: {  	_ =	shalt  }
0x4e: {  	_ =	shalt  }
0x4f: {  	_ =	shalt  }
0x50: {  	_ =	shalt  }
0x51: {  	_ =	shalt  }
0x52: {  	_ =	shalt  }
0x53: {  	_ =	shalt  }
0x54: {  	_ =	shalt  }
0x55: {  	_ =	shalt  }
0x56: {  	_ =	shalt  }
0x57: {  	_ =	shalt  }
0x58: {  	_ =	shalt  }
0x59: {  	_ =	shalt  }
0x5a: {  	_ =	shalt  }
0x5b: {  	_ =	shalt  }
0x5c: {  	_ =	shalt  }
0x5d: {  	_ =	shalt  }
0x5e: {  	_ =	shalt  }
0x5f: {  	_ =	shalt  }
0x60: {  	_ =	shalt  }
0x61: {  	_ =	shalt  }
0x62: {  	_ =	shalt  }
0x63: {  	_ =	shalt  }
0x64: {  	_ =	shalt  }
0x65: {  	_ =	shalt  }
0x66: {  	_ =	shalt  }
0x67: {  	_ =	shalt  }
0x68: {  	_ =	shalt  }
0x69: {  	_ =	shalt  }
0x6a: {  	_ =	shalt  }
0x6b: {  	_ =	shalt  }
0x6c: {  	_ =	shalt  }
0x6d: {  	_ =	shalt  }
0x6e: {  	_ =	shalt  }
0x6f: {  	_ =	shalt  }
0x70: {  	_ =	shalt  }
0x71: {  	_ =	shalt  }
0x72: {  	_ =	shalt  }
0x73: {  	_ =	shalt  }
0x74: {  	_ =	shalt  }
0x75: {  	_ =	shalt  }
0x76: {  	_ =	shalt  }
0x77: {  	_ =	shalt  }
0x78: {  	_ =	shalt  }
0x79: {  	_ =	shalt  }
0x7a: {  	_ =	shalt  }
0x7b: {  	_ =	shalt  }
0x7c: {  	_ =	shalt  }
0x7d: {  	_ =	shalt  }
0x7e: {  	_ =	shalt  }
0x7f: {  	_ =	shalt  }
0x80: {  	_ =	shalt  }
0x81: {  	_ =	shalt  }
0x82: {  	_ =	shalt  }
0x83: {  	_ =	shalt  }
0x84: {  	_ =	shalt  }
0x85: {  	_ =	shalt  }
0x86: {  	_ =	shalt  }
0x87: {  	_ =	shalt  }
.Lfunc_end0:
.L_simem_size_0:
called_computation.3_lowered:
.L_overlay_start_0:
0x88: {  	s2 =	sld [smem:$0x3FD9]  }
0x89: {  	s3 =	sld [smem:$0x3FFE];
	_ =	sdelay $0x1  }
0x8a: {  	s1 =	srdreg.scid  }
0x8b: {  	s0 =	sand.u32 $0x1, s1  }
0x8c: {  	s17 =	sshll.u32 s0, $0xA;
	s2 =	sadd.s32 s3, s2  }
0x8d: {  	s2 =	sadd.s32 s2, s17  }
0x8e: {  	[smem:$0x3FBE] =	sst s2  }
0x8f: {  	_ = 	snop  }
0x90: {  	s2 =	sld [smem:$0x3FD0];
	(tm) =	ssettm $0x1  }
0x91: {  	s18 =	sld [smem:$0x3FFB];
	_ =	sdelay $0x3  }
0x92: {  	_ =	strace s18  }
0x93: {  	s3 =	sld [smem:$0x3FFC];
	_ =	sdelay $0x3  }
0x94: {  	_ =	strace s3  }
0x95: {  	s3 =	sld [smem:$0x3FFD];
	_ =	sdelay $0x3  }
0x96: {  	_ =	strace s3  }
0x97: {  	_ =	strace $0x8FFFFFFF  }
0x98: {  	s19 =	sld [smem:$0x3FDB];
	_ =	sdelay $0x1  }
0x99: {  	s4 =	simm.s32 $_scs_section_size  }
0x9a: {  	s5 =	simm.s32 $_size__tile_overlayer_lowered;
	s6 =	simm.s32 $_tile_overlayer_lowered  }
0x9b: {  	s22 =	simm.s32 $0x1BFF;
	s21 =	sshll.u32 s6, $0x1;
	s3 =	sadd.s32 s4, s19  }
0x9c: {  	s7 =	simm.s32 $0x0;
	s20 =	sshll.u32 s5, $0x1;
	s5 =	sadd.s32 s21, s3  }
0x9d: {  	[timem:s7], [sflag:s22] =	dma.local [hbm:s5], s20  }
0x9e: {  	_ =	swait.ge [sflag:s22], s20  }
0x9f: {  	s4 =	ssub.s32 $0x0, s20;
	[sflag:s22] =	ssyncset.done $0x0  }
0xa0: {  	[sflag:s22] =	ssyncadd.s32 s4;
	_ =	sdelay $0x1  }
0xa1: {  	s23 =	simm.s32 $0x1B8B  }
0xa2: {  	_ =	swait.ge [sflag:s23], $0x1  }
0xa3: {  	[sflag:s23] =	ssyncset.done $0x0  }
0xa4: {  	s25 =	simm.s32 $0x1B8E;
	s24 =	sld [smem:$0x3FFE];
	[sflag:s23] =	ssyncadd.s32 $0xFFFFFFFF  }
0xa5: {  	s26 =	simm.s32 $execute0_lowered;
	[smem:$0x3FD2] =	sst s25  }
0xa6: {  	s5 =	sshll.u32 s26, $0x1;
	_ =	strace $0x8000004F;
	[dreg:$0x1] =	wrdreg $0xFFFFFFFF  }
0xa7: {  	s28 =	simm.s32 $_size_execute0_lowered;
	s3 =	sadd.s32 s3, s5;
	[dreg:$0x0] =	wrdreg $0x0  }
0xa8: {  	s5 =	sshll.u32 s28, $0x1;
	[dreg:$0x2] =	wrdreg s3  }
0xa9: {  	[dreg:$0x3] =	wrdreg s5  }
0xaa: {  	[dreg:$0x4] =	wrdreg $0xC0  }
0xab: {  	_ =	task [dreg:s7], $0x5FFFF  }
0xac: {  	[dreg:$0x1] =	wrdreg $0xFFFFFFFF  }
0xad: {  	[dreg:$0x0] =	wrdreg $0x60  }
0xae: {  	[dreg:$0x2] =	wrdreg s24  }
0xaf: {  	[dreg:$0x3] =	wrdreg s2  }
0xb0: {  	[dreg:$0x4] =	wrdreg $0xB0000  }
0xb1: {  	[dreg:$0x5] =	wrdreg $0x9  }
0xb2: {  	_ =	task.clear_ibuf [dreg:s7], $0x6FFFF;
	_ =	strace $0x9000004F  }
0xb3: {  	s29 =	simm.s32 $0x9;
	_ =	strace $0x80000051  }
0xb4: {  	_ =	swait.ge [sflag:s29], $0x1  }
0xb5: {  	[sflag:s29] =	ssyncadd.s32 $0xFFFFFFFF  }
0xb6: {  	_ =	strace $0x90000051  }
0xb7: {  	_ =	sfence  }
0xb8: {  	s30 =	sld [smem:$0x0];
	_ =	sdelay $0x2  }
0xb9: {  	s31 =	sshll.u32 s1, $0xD;
	s1 =	sshrl.u32 s1, $0x2  }
0xba: {  	s3 =	sand.u32 $0x4000, s31;
	s1 =	sadd.s32 s1, s30  }
0xbb: {  	s0 =	sor.u32 s3, s0;
	s1 =	sshll.u32 s1, $0x11  }
0xbc: {  	s0 =	sor.u32 s1, s0  }
0xbd: {  	s0 =	sadd.s32 $0x8F2B, s0  }
0xbe: {  	[sflag:s0] =	ssyncadd.remote.s32 $0x1  }
0xbf: {  	_ =	sfence.sel $0xFFFF  }
0xc0: {  	[dreg:$0x0] =	wrdreg $0xFFFFFFFF;
	(pc) =	sbr.abs _section_cstart, $3  }
0xc1: {  	[dreg:$0x1] =	wrdreg $0xFFFFFFFF  }
0xc2: {  	_ =	task.clear_ibuf [dreg:s7], $0x2FFFF;
	_ =	strace $0x9FFFFFFF  }
0xc3: {  	(tm) =	ssettm $0x7FFFFFFF  }
tec
execute0_lowered:
.L_overlay_start_1:
0x0: {  	(tag) =	ssettag $0x1  }
0x1: {  	s6 =	rddreg [dreg:$0x0]  }
0x2: {  	s9 =	rddreg [dreg:$0x1]  }
0x3: {  	s0 =	stileid.u32;
	s1 =	srdreg.scid  }
0x4: {  	s2 =	rddreg [dreg:$0x2];
	s3 =	simm.s32 $0x0;
	s15 =	simm.s32 $0x1  }
0x5: {  	s16 =	simm.s32 $0x1800;
	s17 =	simm.s32 $0x80;
	s18 =	simm.s32 $0x3000  }
0x6: {  	s19 =	simm.s32 $0x7000;
	s20 =	simm.s32 $0x2;
	s21 =	simm.s32 $0x1480  }
0x7: {  	s22 =	simm.s32 $0x2C00;
	s23 =	simm.s32 $0x2C80;
	s7 =	smul.u32 $0x3000, s0  }
0x8: {  	s5 =	sand.u32 $0x1, s1;
	s1 =	rddreg [dreg:$0x3];
	s11 =	smul.u32 $0x14000, s0  }
0x9: {  	s24 =	simm.s32 $0x0;
	[smem:$0x7FF] =	sst s3;
	s26 =	smul.u32 $0x50000, s0  }
0xa: {  	s4 =	sadd.s32 $0x61C00, s6;
	s29 =	sshll.u32 s0, $0x6;
	s8 =	smul.u32 $0x140000, s5  }
0xb: {  	_ =	strace $0x80000050;
	s25 =	ssub.s32 $0x2, s5;
	s14 =	smul.u32 $0x30000, s5  }
0xc: {  	s5 =	sadd.s32 $0x8C00, s6;
	s10 =	sshrl.u32 s7, $0x3;
	s13 =	sshrl.u32 s25, $0x1  }
0xd: {  	s28 =	sshrl.u32 s26, $0x2;
	s12 =	sadd.s32 s10, s6;
	s8 =	sadd.s32 s11, s8  }
0xe: {  	s10 =	ssub.s32 s25, s13;
	s7 =	sadd.s32 s14, s7;
	s30 =	sadd.s32 s28, s2  }
0xf: {  	s14 =	simm.s32 $0x3;
	s8 =	sshrl.u32 s8, $0x3;
	s31 =	sshrl.u32 s7, $0x3  }
0x10: {  	s13 =	sshrl.u32 s30, $0x3;
	s8 =	sadd.s32 s8, s6;
	s6 =	sor.u32 $0x1C03, s29  }
0x11: {  	s9 =	sadd.s32 s9, s31;
	s7 =	sadd.s32 $0xB1C00, s8;
	s8 =	smax.u32 s10, $0x1  }
0x12: {  	s10 =	sadd.s32 $0x5BC00, s12;
	s11 =	sadd.s32 $0x300, s9;
	s12 =	sadd.s32 $0x5BF00, s12  }
.LBB2_1:
0x13: {  	[spmem:s13], [sflag:s6] =	dma.local [hbm:s5], $0x2800  }
0x14: {  	_ =	swait.ge [sflag:s14], $0x2800  }
0x15: {  	[sflag:s14] =	ssyncset.done $0x0  }
0x16: {  	[sflag:s14] =	ssyncadd.s32 $0xFFFFD800  }
0x17: {  	[bflag:$0x0] =	sbarrier.arrive $0xFFFF  }
0x18: {  	[tilespmem:s3], [sflag:$0x1] =	stream.linear.gather [hbm4b:s9+s3], $0x1500, $0x38;
	[tilespmem:$0x1F000] =	vst v63  }
0x19: {  	_ =	swait.ge [sflag:s15], $0x1500  }
0x1a: {  	[sflag:s15] =	ssyncset.done $0x0  }
0x1b: {  	[sflag:s15] =	ssyncadd.s32 $0xFFFFEB00  }
0x1c: {  	[tilespmem:s16], [sflag:$0x1] =	stream.linear.gather [hbm4b:s10+s3], $0x1500, $0x38;
	[tilespmem:$0x1F000] =	vst v63  }
0x1d: {  	_ =	swait.ge [sflag:s15], $0x1500  }
0x1e: {  	[sflag:s15] =	ssyncset.done $0x0  }
0x1f: {  	[sflag:s15] =	ssyncadd.s32 $0xFFFFEB00  }
0x20: {  	[tilespmem:s18], [sflag:$0x1] =	stream.indirect.gather [hbm4b:s4+s17], $0x80, s3, s17, $0xb8;
	[tilespmem:$0x1F000] =	vst v63  }
0x21: {  	_ =	swait.ge [sflag:s15], $0x4000  }
0x22: {  	[sflag:s15] =	ssyncset.done $0x0  }
0x23: {  	s25 =	simm.s32 $0x80;
	[sflag:s15] =	ssyncadd.s32 $0xFFFFC000  }
0x24: {  	[tilespmem:s19], [sflag:$0x2] =	stream.indirect.gather [hbm4b:s4+s17], $0x80, s25, s17, $0xb8;
	[tilespmem:$0x1F000] =	vst v63  }
0x25: {  	s29 =	simm.s32 $0x1800  }
0x26: {  	[spmem:s2] =	stream.indirect.scatter.add.f32 [tilespmem:s18], [sflag:$0x3], $0x80, s29, s17, $0xb8;
	[tilespmem:$0x1F000] =	vst v63  }
0x27: {  	_ =	swait.ge [sflag:s14], $0x4000  }
0x28: {  	[sflag:s14] =	ssyncset.done $0x0  }
0x29: {  	[sflag:s14] =	ssyncadd.s32 $0xFFFFC000  }
0x2a: {  	_ =	swait.ge [sflag:s20], $0x4000  }
0x2b: {  	[sflag:s20] =	ssyncset.done $0x0  }
0x2c: {  	s30 =	simm.s32 $0x100;
	[sflag:s20] =	ssyncadd.s32 $0xFFFFC000  }
0x2d: {  	[tilespmem:s18], [sflag:$0x1] =	stream.indirect.gather [hbm4b:s4+s17], $0x80, s30, s17, $0xb8;
	[tilespmem:$0x1F000] =	vst v63  }
0x2e: {  	s31 =	simm.s32 $0x1880  }
0x2f: {  	[spmem:s2] =	stream.indirect.scatter.add.f32 [tilespmem:s19], [sflag:$0x3], $0x80, s31, s17, $0xb8;
	[tilespmem:$0x1F000] =	vst v63  }
0x30: {  	_ =	swait.ge [sflag:s14], $0x4000  }
0x31: {  	s25 =	simm.s32 $0x400;
	[sflag:s14] =	ssyncset.done $0x0  }
.LBB2_2:
0x32: {  	p0 =	sne.s32 s25, $0x4C00  }
0x33: {  	[sflag:s14] =	ssyncadd.s32 $0xFFFFC000;
	s26 =	smov.u32 s25;
	s25 =	sadd.s32 $0x400, s25  }
0x34: {  	_ = 	snop  }
0x35: {  	_ =	swait.ge [sflag:s15], $0x4000  }
0x36: {  	s26 =	sshra.s32 s26, $0x2;
	[sflag:s15] =	ssyncset.done $0x0  }
0x37: {  	s28 =	sadd.s32 $0x80, s26;
	[sflag:s15] =	ssyncadd.s32 $0xFFFFC000  }
0x38: {  	[tilespmem:s19], [sflag:$0x2] =	stream.indirect.gather [hbm4b:s4+s17], $0x80, s28, s17, $0xb8;
	[tilespmem:$0x1F000] =	vst v63  }
0x39: {  	s28 =	sadd.s32 $0x1800, s26  }
0x3a: {  	[spmem:s2] =	stream.indirect.scatter.add.f32 [tilespmem:s18], [sflag:$0x3], $0x80, s28, s17, $0xb8;
	[tilespmem:$0x1F000] =	vst v63  }
0x3b: {  	_ =	swait.ge [sflag:s14], $0x4000  }
0x3c: {  	[sflag:s14] =	ssyncset.done $0x0  }
0x3d: {  	[sflag:s14] =	ssyncadd.s32 $0xFFFFC000  }
0x3e: {  	_ =	swait.ge [sflag:s20], $0x4000  }
0x3f: {  	[sflag:s20] =	ssyncset.done $0x0  }
0x40: {  	s28 =	sadd.s32 $0x100, s26;
	[sflag:s20] =	ssyncadd.s32 $0xFFFFC000  }
0x41: {  	[tilespmem:s18], [sflag:$0x1] =	stream.indirect.gather [hbm4b:s4+s17], $0x80, s28, s17, $0xb8;
	[tilespmem:$0x1F000] =	vst v63  }
.Ltmp0:
0x42: {  	_ = 	snop;
	(pc) =	sbr.rel @p0 .LBB2_2-.Ltmp0, $4  }
0x43: {  	s26 =	sadd.s32 $0x1880, s26  }
0x44: {  	[spmem:s2] =	stream.indirect.scatter.add.f32 [tilespmem:s19], [sflag:$0x3], $0x80, s26, s17, $0xb8;
	[tilespmem:$0x1F000] =	vst v63  }
0x45: {  	_ =	swait.ge [sflag:s14], $0x4000  }
0x46: {  	[sflag:s14] =	ssyncset.done $0x0  }
0x47: {  	[sflag:s14] =	ssyncadd.s32 $0xFFFFC000  }
0x48: {  	_ =	swait.ge [sflag:s15], $0x4000  }
0x49: {  	[sflag:s15] =	ssyncset.done $0x0  }
0x4a: {  	[sflag:s15] =	ssyncadd.s32 $0xFFFFC000  }
0x4b: {  	[tilespmem:s19], [sflag:$0x2] =	stream.indirect.gather [hbm4b:s4+s17], $0x80, s21, s17, $0xb8;
	[tilespmem:$0x1F000] =	vst v63  }
0x4c: {  	_ = 	snop  }
0x4d: {  	[spmem:s2] =	stream.indirect.scatter.add.f32 [tilespmem:s18], [sflag:$0x3], $0x80, s22, s17, $0xb8;
	[tilespmem:$0x1F000] =	vst v63  }
0x4e: {  	_ =	swait.ge [sflag:s14], $0x4000  }
0x4f: {  	[sflag:s14] =	ssyncset.done $0x0  }
0x50: {  	[sflag:s14] =	ssyncadd.s32 $0xFFFFC000  }
0x51: {  	_ =	swait.ge [sflag:s20], $0x4000  }
0x52: {  	[sflag:s20] =	ssyncset.done $0x0  }
0x53: {  	[sflag:s20] =	ssyncadd.s32 $0xFFFFC000  }
0x54: {  	[tilespmem:s18], [sflag:$0x1] =	stream.indirect.gather [hbm4b:s4+s17], $0x80, s21, s17, $0xb8;
	[tilespmem:$0x1F000] =	vst v63  }
0x55: {  	_ = 	snop  }
0x56: {  	[spmem:s2] =	stream.indirect.scatter.add.f32 [tilespmem:s19], [sflag:$0x3], $0x80, s23, s17, $0xb8;
	[tilespmem:$0x1F000] =	vst v63  }
0x57: {  	_ =	swait.ge [sflag:s14], $0x4000  }
0x58: {  	[sflag:s14] =	ssyncset.done $0x0  }
0x59: {  	[sflag:s14] =	ssyncadd.s32 $0xFFFFC000  }
0x5a: {  	_ =	swait.ge [sflag:s15], $0x4000  }
0x5b: {  	[sflag:s15] =	ssyncset.done $0x0  }
0x5c: {  	s25 =	simm.s32 $0x0;
	[sflag:s15] =	ssyncadd.s32 $0xFFFFC000  }
0x5d: {  	[tilespmem:s25], [sflag:$0x1] =	stream.linear.gather [hbm4b:s11+s25], $0x1500, $0x38;
	[tilespmem:$0x1F000] =	vst v63  }
0x5e: {  	_ =	swait.ge [sflag:s15], $0x1500  }
0x5f: {  	[sflag:s15] =	ssyncset.done $0x0  }
0x60: {  	[sflag:s15] =	ssyncadd.s32 $0xFFFFEB00  }
0x61: {  	[tilespmem:s16], [sflag:$0x1] =	stream.linear.gather [hbm4b:s12+s25], $0x1500, $0x38;
	[tilespmem:$0x1F000] =	vst v63  }
0x62: {  	_ =	swait.ge [sflag:s15], $0x1500  }
0x63: {  	[sflag:s15] =	ssyncset.done $0x0  }
0x64: {  	[sflag:s15] =	ssyncadd.s32 $0xFFFFEB00  }
0x65: {  	[tilespmem:s18], [sflag:$0x1] =	stream.indirect.gather [hbm4b:s4+s17], $0x80, s25, s17, $0xb8;
	[tilespmem:$0x1F000] =	vst v63  }
0x66: {  	_ =	swait.ge [sflag:s15], $0x4000  }
0x67: {  	[sflag:s15] =	ssyncset.done $0x0  }
0x68: {  	s28 =	simm.s32 $0x80;
	[sflag:s15] =	ssyncadd.s32 $0xFFFFC000  }
0x69: {  	[tilespmem:s19], [sflag:$0x2] =	stream.indirect.gather [hbm4b:s4+s17], $0x80, s28, s17, $0xb8;
	[tilespmem:$0x1F000] =	vst v63  }
0x6a: {  	s29 =	simm.s32 $0x1800  }
0x6b: {  	[spmem:s2] =	stream.indirect.scatter.add.f32 [tilespmem:s18], [sflag:$0x3], $0x80, s29, s17, $0xb8;
	[tilespmem:$0x1F000] =	vst v63  }
0x6c: {  	_ =	swait.ge [sflag:s14], $0x4000  }
0x6d: {  	[sflag:s14] =	ssyncset.done $0x0  }
0x6e: {  	[sflag:s14] =	ssyncadd.s32 $0xFFFFC000  }
0x6f: {  	_ =	swait.ge [sflag:s20], $0x4000  }
0x70: {  	[sflag:s20] =	ssyncset.done $0x0  }
0x71: {  	s30 =	simm.s32 $0x100;
	[sflag:s20] =	ssyncadd.s32 $0xFFFFC000  }
0x72: {  	[tilespmem:s18], [sflag:$0x1] =	stream.indirect.gather [hbm4b:s4+s17], $0x80, s30, s17, $0xb8;
	[tilespmem:$0x1F000] =	vst v63  }
0x73: {  	s31 =	simm.s32 $0x1880  }
0x74: {  	[spmem:s2] =	stream.indirect.scatter.add.f32 [tilespmem:s19], [sflag:$0x3], $0x80, s31, s17, $0xb8;
	[tilespmem:$0x1F000] =	vst v63  }
0x75: {  	_ =	swait.ge [sflag:s14], $0x4000  }
0x76: {  	s25 =	simm.s32 $0x400;
	[sflag:s14] =	ssyncset.done $0x0  }
.LBB2_4:
0x77: {  	p0 =	sne.s32 s25, $0x4C00  }
0x78: {  	[sflag:s14] =	ssyncadd.s32 $0xFFFFC000;
	s26 =	smov.u32 s25;
	s25 =	sadd.s32 $0x400, s25  }
0x79: {  	_ = 	snop  }
0x7a: {  	_ =	swait.ge [sflag:s15], $0x4000  }
0x7b: {  	s26 =	sshra.s32 s26, $0x2;
	[sflag:s15] =	ssyncset.done $0x0  }
0x7c: {  	s28 =	sadd.s32 $0x80, s26;
	[sflag:s15] =	ssyncadd.s32 $0xFFFFC000  }
0x7d: {  	[tilespmem:s19], [sflag:$0x2] =	stream.indirect.gather [hbm4b:s4+s17], $0x80, s28, s17, $0xb8;
	[tilespmem:$0x1F000] =	vst v63  }
0x7e: {  	s28 =	sadd.s32 $0x1800, s26  }
0x7f: {  	[spmem:s2] =	stream.indirect.scatter.add.f32 [tilespmem:s18], [sflag:$0x3], $0x80, s28, s17, $0xb8;
	[tilespmem:$0x1F000] =	vst v63  }
0x80: {  	_ =	swait.ge [sflag:s14], $0x4000  }
0x81: {  	[sflag:s14] =	ssyncset.done $0x0  }
0x82: {  	[sflag:s14] =	ssyncadd.s32 $0xFFFFC000  }
0x83: {  	_ =	swait.ge [sflag:s20], $0x4000  }
0x84: {  	[sflag:s20] =	ssyncset.done $0x0  }
0x85: {  	s28 =	sadd.s32 $0x100, s26;
	[sflag:s20] =	ssyncadd.s32 $0xFFFFC000  }
0x86: {  	[tilespmem:s18], [sflag:$0x1] =	stream.indirect.gather [hbm4b:s4+s17], $0x80, s28, s17, $0xb8;
	[tilespmem:$0x1F000] =	vst v63  }
.Ltmp1:
0x87: {  	_ = 	snop;
	(pc) =	sbr.rel @p0 .LBB2_4-.Ltmp1, $4  }
0x88: {  	s26 =	sadd.s32 $0x1880, s26  }
0x89: {  	[spmem:s2] =	stream.indirect.scatter.add.f32 [tilespmem:s19], [sflag:$0x3], $0x80, s26, s17, $0xb8;
	[tilespmem:$0x1F000] =	vst v63  }
0x8a: {  	_ =	swait.ge [sflag:s14], $0x4000  }
0x8b: {  	[sflag:s14] =	ssyncset.done $0x0  }
0x8c: {  	[sflag:s14] =	ssyncadd.s32 $0xFFFFC000  }
0x8d: {  	_ =	swait.ge [sflag:s15], $0x4000  }
0x8e: {  	[sflag:s15] =	ssyncset.done $0x0  }
0x8f: {  	[sflag:s15] =	ssyncadd.s32 $0xFFFFC000  }
0x90: {  	[tilespmem:s19], [sflag:$0x2] =	stream.indirect.gather [hbm4b:s4+s17], $0x80, s21, s17, $0xb8;
	[tilespmem:$0x1F000] =	vst v63  }
0x91: {  	_ = 	snop  }
0x92: {  	[spmem:s2] =	stream.indirect.scatter.add.f32 [tilespmem:s18], [sflag:$0x3], $0x80, s22, s17, $0xb8;
	[tilespmem:$0x1F000] =	vst v63  }
0x93: {  	_ =	swait.ge [sflag:s14], $0x4000  }
0x94: {  	[sflag:s14] =	ssyncset.done $0x0  }
0x95: {  	[sflag:s14] =	ssyncadd.s32 $0xFFFFC000  }
0x96: {  	_ =	swait.ge [sflag:s20], $0x4000  }
0x97: {  	[sflag:s20] =	ssyncset.done $0x0  }
0x98: {  	[sflag:s20] =	ssyncadd.s32 $0xFFFFC000  }
0x99: {  	[tilespmem:s18], [sflag:$0x1] =	stream.indirect.gather [hbm4b:s4+s17], $0x80, s21, s17, $0xb8;
	[tilespmem:$0x1F000] =	vst v63  }
0x9a: {  	_ = 	snop  }
0x9b: {  	[spmem:s2] =	stream.indirect.scatter.add.f32 [tilespmem:s19], [sflag:$0x3], $0x80, s23, s17, $0xb8;
	[tilespmem:$0x1F000] =	vst v63  }
0x9c: {  	_ =	swait.ge [sflag:s14], $0x4000  }
0x9d: {  	[sflag:s14] =	ssyncset.done $0x0  }
0x9e: {  	[sflag:s14] =	ssyncadd.s32 $0xFFFFC000  }
0x9f: {  	_ =	swait.ge [sflag:s15], $0x4000  }
0xa0: {  	s24 =	sadd.s32 $0x1, s24;
	[sflag:s15] =	ssyncset.done $0x0  }
0xa1: {  	p0 =	sne.s32 s24, s8;
	[sflag:s15] =	ssyncadd.s32 $0xFFFFC000  }
.Ltmp2:
0xa2: {  	[bflag:$0x0] =	sbarrier.arrive $0xFFFF;
	(pc) =	sbr.rel @p0 .LBB2_1-.Ltmp2, $4  }
0xa3: {  	[hbm:s7], [sflag:s6] =	dma.local [spmem:s13], $0x2800  }
0xa4: {  	_ =	swait.ge [sflag:s14], $0x2800  }
0xa5: {  	[sflag:s14] =	ssyncset.done $0x0  }
0xa6: {  	[sflag:s14] =	ssyncadd.s32 $0xFFFFD800  }
0xa7: {  	_ =	sfence.sel $0x180000  }
0xa8: {  	[bflag:$0x0] =	sbarrier.arrive $0xFFFF  }
0xa9: {  	p0 =	sne.s32 s0, $0x0;
	_ =	strace $0x90000050  }
0xaa: {  	s0 =	sadd.s32 @!p0 $0x100000, s1;
	[bflag:$0x2] =	sbarrier.arrive $0xFFFF  }
0xab: {  	[sflag:s0] =	ssyncadd.tile.s32 @!p0 $0x1;
	_ =	shalt  }
.Lfunc_end2:
_tile_overlayer_lowered:
.L_overlay_start_2:
0xac: {  	(tag) =	ssettag $0x2  }
0xad: {  	s0 =	rddreg [dreg:$0x0];
	s2 =	stileid.u32  }
0xae: {  	s1 =	rddreg [dreg:$0x1];
	p0 =	sne.s32 s2, $0x0  }
0xaf: {  	s3 =	rddreg [dreg:$0x2];
	[bflag:$0x3] =	sbarrier.arrive $0xFFFF;
	s2 =	simm.s32 @!p0 $0x1C03  }
0xb0: {  	[timem:s3], [sflag:s2] =	dma.local @!p0 [hbm:s0], s1  }
0xb1: {  	s0 =	simm.s32 @!p0 $0x3  }
0xb2: {  	_ =	swait.ge @!p0 [sflag:s0], s1  }
0xb3: {  	s1 =	ssub.s32 @!p0 $0x0, s1;
	[sflag:s0] =	ssyncset.done @!p0 $0x0  }
0xb4: {  	[sflag:s0] =	ssyncadd.s32 @!p0 s1  }
0xb5: {  	[bflag:$0x3] =	sbarrier.arrive $0xFFFF  }
0xb6: {  	_ =	shalt  }

</sc_bundles>
